<compile_context>
chip_gen: v7x
topology: tpu7x:2x2x1
jax: 0.10.2.dev20260603
libtpu: 0.0.44.dev20260713+nightly
codegen_flags: <defaults>
</compile_context>

<pallas_src>
import functools

import jax
import jax.numpy as jnp
from jax import lax
from jax.experimental import pallas as pl
from jax.experimental.pallas import tpu as pltpu
from jax.experimental.pallas import tpu_sc as plsc

N = 10000
E = 320000
DF = 128
D1 = 16
D2 = 40
D2P = 40

NC = 2
NS = 16
NW = NC * NS

N_PAD = 10240
NPT = N_PAD // NS
CH = 128
E_PW = 10240
NCHK = E_PW // CH
E_PAD = E_PW * NW


def _flat_worker_id():
    return lax.axis_index("s") * NC + lax.axis_index("c")



def _sc_deg(col2):
    mesh = plsc.VectorSubcoreMesh(core_axis_name="c", subcore_axis_name="s")

    @functools.partial(
        pl.kernel,
        out_type=jax.ShapeDtypeStruct((NW, N_PAD), jnp.float32),
        mesh=mesh,
        compiler_params=pltpu.CompilerParams(needs_layout_passes=False),
        scratch_types=[
            pltpu.VMEM((E_PW,), jnp.int32),
            pltpu.VMEM((N_PAD,), jnp.float32),
        ],
    )
    def kd(col_hbm, out_hbm, col_v, acc_v):
        w = _flat_worker_id()
        pltpu.sync_copy(col_hbm.at[w], col_v)
        zeros = jnp.zeros((16,), jnp.float32)
        ones = jnp.ones((16,), jnp.float32)

        def zbody(i, carry):
            acc_v[pl.ds(i * 16, 16)] = zeros
            return carry

        lax.fori_loop(0, N_PAD // 16, zbody, 0)

        def body(i, carry):
            idx = col_v[pl.ds(i * 16, 16)]
            plsc.addupdate_scatter(acc_v, [idx], ones)
            return carry

        lax.fori_loop(0, E_PW // 16, body, 0)
        pltpu.sync_copy(acc_v, out_hbm.at[w])

    return kd(col2)



def _make_sc_scatter(D):
    mesh = plsc.VectorSubcoreMesh(core_axis_name="c", subcore_axis_name="s")

    @functools.partial(
        pl.kernel,
        out_type=jax.ShapeDtypeStruct((NC, N_PAD, D), jnp.float32),
        mesh=mesh,
        compiler_params=pltpu.CompilerParams(use_tc_tiling_on_sc=False),
        scratch_types=[
            pltpu.VMEM((NCHK, CH), jnp.int32),
            pltpu.VMEM((NCHK, CH), jnp.int32),
            [pltpu.VMEM((CH, D), jnp.float32)] * 4,
            pltpu.VMEM_SHARED((N_PAD, D), jnp.float32),
            [pltpu.SemaphoreType.DMA] * 4,
            [pltpu.SemaphoreType.DMA] * 4,
        ],
    )
    def ks(g_hbm, row_hbm, col_hbm, zeros_hbm, out_hbm, row_v, col_v, bufs,
           acc_sh, sem_g, sem_s):
        c = lax.axis_index("c")
        s = lax.axis_index("s")
        w = s * NC + c
        pltpu.sync_copy(zeros_hbm.at[pl.ds(s * NPT, NPT)],
                        acc_sh.at[pl.ds(s * NPT, NPT)])
        pltpu.sync_copy(row_hbm.at[w], row_v)
        pltpu.sync_copy(col_hbm.at[w], col_v)
        plsc.subcore_barrier()

        pltpu.async_copy(g_hbm.at[row_v.at[0]], bufs[0], sem_g[0])
        pltpu.async_copy(g_hbm.at[row_v.at[1]], bufs[1], sem_g[1])

        def body(t, carry):
            for b in range(4):
                j = 4 * t + b
                pltpu.make_async_copy(
                    g_hbm.at[row_v.at[j]], bufs[b], sem_g[b]).wait()
                pltpu.async_copy(
                    bufs[b], acc_sh.at[col_v.at[j]], sem_s[b], add=True)
                b2 = (b + 2) % 4

                @pl.when(j >= 2)
                def _():
                    pltpu.make_async_copy(
                        bufs[b2], acc_sh.at[col_v.at[j - 2]], sem_s[b2]).wait()

                @pl.when(j + 2 < NCHK)
                def _():
                    pltpu.async_copy(
                        g_hbm.at[row_v.at[j + 2]], bufs[b2], sem_g[b2])
            return carry

        lax.fori_loop(0, NCHK // 4, body, 0)
        pltpu.make_async_copy(
            bufs[2], acc_sh.at[col_v.at[NCHK - 2]], sem_s[2]).wait()
        pltpu.make_async_copy(
            bufs[3], acc_sh.at[col_v.at[NCHK - 1]], sem_s[3]).wait()
        plsc.subcore_barrier()
        pltpu.sync_copy(acc_sh.at[pl.ds(s * NPT, NPT)],
                        out_hbm.at[c, pl.ds(s * NPT, NPT)])

    return ks


_sc_scatter16 = _make_sc_scatter(D1)
_sc_scatter48 = _make_sc_scatter(D2P)



def _tc_deg(degp):
    def body(degp_ref, dinv_ref):
        deg = jnp.sum(degp_ref[...], axis=0, keepdims=True) + 1.0
        dinv_ref[...] = lax.rsqrt(deg)

    return pl.pallas_call(
        body, out_shape=jax.ShapeDtypeStruct((1, N_PAD), jnp.float32))(degp)


def _tc1(x_pad, W1, dinv_col):
    def body(x_ref, w_ref, dv_ref, g_ref):
        h = jnp.dot(x_ref[...], w_ref[...], preferred_element_type=jnp.float32)
        g_ref[...] = h * dv_ref[...]

    return pl.pallas_call(
        body, out_shape=jax.ShapeDtypeStruct((N_PAD, D1), jnp.float32))(
            x_pad, W1, dinv_col)


def _tc2(S1, g1, dinv_col, b1_row, W2p):
    def body(s_ref, g1_ref, dv_ref, b1_ref, w2_ref, g2_ref):
        agg = (s_ref[0] + s_ref[1] + g1_ref[...]) * dv_ref[...]
        a1 = jnp.maximum(agg + b1_ref[...], 0.0)
        h2 = jnp.dot(a1, w2_ref[...], preferred_element_type=jnp.float32)
        g2_ref[...] = h2 * dv_ref[...]

    return pl.pallas_call(
        body, out_shape=jax.ShapeDtypeStruct((N_PAD, D2P), jnp.float32))(
            S1, g1, dinv_col, b1_row, W2p)


def _tc3(S2, g2, dinv_col, b2_row):
    def body(s_ref, g2_ref, dv_ref, b2_ref, out_ref):
        agg = (s_ref[0] + s_ref[1] + g2_ref[...]) * dv_ref[...]
        z = agg[:, :D2] + b2_ref[...]
        m = jnp.max(z, axis=1, keepdims=True)
        lse = jnp.log(jnp.sum(jnp.exp(z - m), axis=1, keepdims=True)) + m
        out_ref[...] = z - lse

    return pl.pallas_call(
        body, out_shape=jax.ShapeDtypeStruct((N_PAD, D2), jnp.float32))(
            S2, g2, dinv_col, b2_row)



def kernel(x, edge_index, W1, b1, W2, b2):
    ei = edge_index.astype(jnp.int32)
    pad = jnp.full((E_PAD - E,), N, jnp.int32)
    row = jnp.concatenate([ei[0], pad])
    col = jnp.concatenate([ei[1], pad])
    row3 = row.reshape(NW, NCHK, CH)
    col3 = col.reshape(NW, NCHK, CH)
    col2 = col.reshape(NW, E_PW)
    x_pad = jnp.pad(x, ((0, N_PAD - N), (0, 0)))
    W2p = jnp.pad(W2, ((0, 0), (0, D2P - D2)))
    zeros16 = jnp.zeros((N_PAD, D1), jnp.float32)
    zeros48 = jnp.zeros((N_PAD, D2P), jnp.float32)

    degp = _sc_deg(col2)
    dinv_row = _tc_deg(degp)
    dinv_col = dinv_row.reshape(N_PAD, 1)
    g1 = _tc1(x_pad, W1, dinv_col)
    S1 = _sc_scatter16(g1, row3, col3, zeros16)
    g2 = _tc2(S1, g1, dinv_col, b1.reshape(1, D1), W2p)
    S2 = _sc_scatter48(g2, row3, col3, zeros48)
    out = _tc3(S2, g2, dinv_col, b2.reshape(1, D2))
    return out[:N]

# --- scband reference (transcript-rebuilt; emitter-appended) ---
"""Pipeline reference for scband-gcn-83829171684013 (READ-ONLY COPY).

The authoritative reference and input builder live on the scoring server;
editing this copy changes nothing except your own understanding.
"""

import jax, jax.numpy as jnp
import numpy as np

N_NODES = 10000
N_EDGES = 320000
D_FEAT = 128
D_HID = 16
N_CLASSES = 40


def gcn_conv(x, edge_index, W, b):
    # Linear transform first (standard GCNConv)
    h = x @ W
    N = x.shape[0]
    loops = jnp.arange(N, dtype=edge_index.dtype)
    row = jnp.concatenate([edge_index[0], loops])  # source nodes
    col = jnp.concatenate([edge_index[1], loops])  # destination nodes
    # symmetric normalization D^-1/2 A_hat D^-1/2 (A_hat includes self-loops)
    deg = jnp.zeros((N,), dtype=h.dtype).at[col].add(1.0)
    deg_inv_sqrt = jnp.where(deg > 0, jax.lax.rsqrt(jnp.where(deg > 0, deg, 1.0)), 0.0)
    norm = deg_inv_sqrt[row] * deg_inv_sqrt[col]
    msg = h[row] * norm[:, None]
    out = jnp.zeros((N, h.shape[1]), dtype=h.dtype).at[col].add(msg)
    return out + b


def setup_inputs(seed: int = 0) -> dict:
    key = jax.random.key(seed)
    k1, k2, k3, k4, k5 = jax.random.split(key, 5)
    x = jax.random.normal(k1, (N_NODES, D_FEAT), dtype=jnp.float32)
    edge_index = jax.random.randint(k2, (2, N_EDGES), 0, N_NODES, dtype=jnp.int64)
    W1 = jax.random.normal(k3, (D_FEAT, D_HID), dtype=jnp.float32) * (1.0 / np.sqrt(D_FEAT))
    b1 = jnp.zeros((D_HID,), dtype=jnp.float32)
    W2 = jax.random.normal(k4, (D_HID, N_CLASSES), dtype=jnp.float32) * (1.0 / np.sqrt(D_HID))
    b2 = jnp.zeros((N_CLASSES,), dtype=jnp.float32)
    return {"x": x, "edge_index": edge_index, "W1": W1, "b1": b1, "W2": W2, "b2": b2}


def reference(x, edge_index, W1, b1, W2, b2):
    h = gcn_conv(x, edge_index, W1, b1)
    h = jax.nn.relu(h)
    # dropout skipped: deterministic inference reference (torch.dropout with training=False is identity)
    h = gcn_conv(h, edge_index, W2, b2)
    return jax.nn.log_softmax(h, axis=1)

if __name__ == "__main__":
    import jax
    _d = setup_inputs()
    print(jax.jit(kernel)(*tuple(_d.values())))

</pallas_src>

<mosaic_0001>
#map = affine_map<(d0, d1) -> (0, 0)>
#map1 = affine_map<(d0, d1) -> (0, 0, 0)>
module attributes {stable_mosaic.version = 14 : i64} {
  func.func @ks(%arg0: i32, %arg1: i32, %arg2: memref<10240x16xf32, #tpu.memory_space<hbm>>, %arg3: memref<32x80x128xi32, #tpu.memory_space<hbm>>, %arg4: memref<32x80x128xi32, #tpu.memory_space<hbm>>, %arg5: memref<10240x16xf32, #tpu.memory_space<hbm>>, %arg6: memref<2x10240x16xf32, #tpu.memory_space<hbm>>, %arg7: memref<80x128xi32, #tpu.memory_space<vmem>>, %arg8: memref<80x128xi32, #tpu.memory_space<vmem>>, %arg9: memref<128x16xf32, #tpu.memory_space<vmem>>, %arg10: memref<128x16xf32, #tpu.memory_space<vmem>>, %arg11: memref<128x16xf32, #tpu.memory_space<vmem>>, %arg12: memref<128x16xf32, #tpu.memory_space<vmem>>, %arg13: memref<10240x16xf32, #tpu.memory_space<vmem_shared>>, %arg14: memref<!tpu.dma_semaphore, #tpu.memory_space<semaphore_mem>>, %arg15: memref<!tpu.dma_semaphore, #tpu.memory_space<semaphore_mem>>, %arg16: memref<!tpu.dma_semaphore, #tpu.memory_space<semaphore_mem>>, %arg17: memref<!tpu.dma_semaphore, #tpu.memory_space<semaphore_mem>>, %arg18: memref<!tpu.dma_semaphore, #tpu.memory_space<semaphore_mem>>, %arg19: memref<!tpu.dma_semaphore, #tpu.memory_space<semaphore_mem>>, %arg20: memref<!tpu.dma_semaphore, #tpu.memory_space<semaphore_mem>>, %arg21: memref<!tpu.dma_semaphore, #tpu.memory_space<semaphore_mem>>) attributes {dimension_semantics = [#tpu.dimension_semantics<core_parallel>, #tpu.dimension_semantics<subcore_parallel>], iteration_bounds = array<i64: 2, 16>, scalar_prefetch = 0 : i64, scratch_operands = 15 : i64, tpu.core_type = #tpu.core_type<sc_vector_subcore>, window_params = [{transform_indices = #map}, {transform_indices = #map1}, {transform_indices = #map1}, {transform_indices = #map}, {transform_indices = #map1}]} {
    %mul3A = arith.constant 2 : i32
    %mul3A_0 = arith.muli %arg1, %mul3A : i32
    %add3A = arith.addi %mul3A_0, %arg0 : i32
    %mul3A_1 = arith.constant 640 : i32
    %mul3A_2 = arith.muli %arg1, %mul3A_1 : i32
    %mul3A_3 = arith.constant 640 : i32
    %mul3A_4 = arith.muli %arg1, %mul3A_3 : i32
    "tpu.region"() ({
      %run_scoped3A = tpu.sem_alloc : memref<!tpu.dma_semaphore, #tpu.memory_space<semaphore_mem>>
      %dma_start3A_41 = arith.constant 0 : i32
      %dma_start3A_42 = tpu.memref_slice %arg13[%mul3A_4, %dma_start3A_41] : memref<10240x16xf32, #tpu.memory_space<vmem_shared>> -> memref<640x16xf32, #tpu.memory_space<vmem_shared>>
      %dma_start3A_43 = arith.constant 0 : i32
      %dma_start3A_44 = tpu.memref_slice %arg5[%mul3A_2, %dma_start3A_43] : memref<10240x16xf32, #tpu.memory_space<hbm>> -> memref<640x16xf32, #tpu.memory_space<hbm>>
      tpu.enqueue_dma source(%dma_start3A_44 : memref<640x16xf32, #tpu.memory_space<hbm>>) target(%dma_start3A_42 : memref<640x16xf32, #tpu.memory_space<vmem_shared>>) target_semaphore(%run_scoped3A : memref<!tpu.dma_semaphore, #tpu.memory_space<semaphore_mem>>)
      %dma_wait3A_45 = arith.constant 0 : i32
      %dma_wait3A_46 = tpu.memref_slice %arg13[%mul3A_4, %dma_wait3A_45] : memref<10240x16xf32, #tpu.memory_space<vmem_shared>> -> memref<640x16xf32, #tpu.memory_space<vmem_shared>>
      %dma_wait3A_47 = arith.constant 0 : i32
      %dma_wait3A_48 = tpu.memref_slice %arg5[%mul3A_2, %dma_wait3A_47] : memref<10240x16xf32, #tpu.memory_space<hbm>> -> memref<640x16xf32, #tpu.memory_space<hbm>>
      tpu.wait_dma2 semaphore(%run_scoped3A : memref<!tpu.dma_semaphore, #tpu.memory_space<semaphore_mem>>) src(%dma_wait3A_48 : memref<640x16xf32, #tpu.memory_space<hbm>>) dst(%dma_wait3A_46 : memref<640x16xf32, #tpu.memory_space<vmem_shared>>)
      tpu.yield
    }) : () -> ()
    "tpu.region"() ({
      %run_scoped3A = tpu.sem_alloc : memref<!tpu.dma_semaphore, #tpu.memory_space<semaphore_mem>>
      %dma_start3A_41 = arith.constant 0 : i32
      %dma_start3A_42 = arith.constant 0 : i32
      %dma_start3A_43 = tpu.memref_slice %arg3[%add3A, %dma_start3A_41, %dma_start3A_42] : memref<32x80x128xi32, #tpu.memory_space<hbm>> -> memref<1x80x128xi32, #tpu.memory_space<hbm>>
      %dma_start3A_44 = tpu.memref_squeeze %dma_start3A_43 : memref<1x80x128xi32, #tpu.memory_space<hbm>> -> memref<80x128xi32, #tpu.memory_space<hbm>>
      %dma_start3A_45 = arith.constant 0 : i32
      %dma_start3A_46 = arith.constant 0 : i32
      %dma_start3A_47 = tpu.memref_slice %arg3[%add3A, %dma_start3A_45, %dma_start3A_46] : memref<32x80x128xi32, #tpu.memory_space<hbm>> -> memref<1x80x128xi32, #tpu.memory_space<hbm>>
      %dma_start3A_48 = tpu.memref_squeeze %dma_start3A_47 : memref<1x80x128xi32, #tpu.memory_space<hbm>> -> memref<80x128xi32, #tpu.memory_space<hbm>>
      tpu.enqueue_dma source(%dma_start3A_48 : memref<80x128xi32, #tpu.memory_space<hbm>>) target(%arg7 : memref<80x128xi32, #tpu.memory_space<vmem>>) target_semaphore(%run_scoped3A : memref<!tpu.dma_semaphore, #tpu.memory_space<semaphore_mem>>)
      %dma_wait3A_49 = arith.constant 0 : i32
      %dma_wait3A_50 = arith.constant 0 : i32
      %dma_wait3A_51 = tpu.memref_slice %arg3[%add3A, %dma_wait3A_49, %dma_wait3A_50] : memref<32x80x128xi32, #tpu.memory_space<hbm>> -> memref<1x80x128xi32, #tpu.memory_space<hbm>>
      %dma_wait3A_52 = tpu.memref_squeeze %dma_wait3A_51 : memref<1x80x128xi32, #tpu.memory_space<hbm>> -> memref<80x128xi32, #tpu.memory_space<hbm>>
      %dma_wait3A_53 = arith.constant 0 : i32
      %dma_wait3A_54 = arith.constant 0 : i32
      %dma_wait3A_55 = tpu.memref_slice %arg3[%add3A, %dma_wait3A_53, %dma_wait3A_54] : memref<32x80x128xi32, #tpu.memory_space<hbm>> -> memref<1x80x128xi32, #tpu.memory_space<hbm>>
      %dma_wait3A_56 = tpu.memref_squeeze %dma_wait3A_55 : memref<1x80x128xi32, #tpu.memory_space<hbm>> -> memref<80x128xi32, #tpu.memory_space<hbm>>
      tpu.wait_dma2 semaphore(%run_scoped3A : memref<!tpu.dma_semaphore, #tpu.memory_space<semaphore_mem>>) src(%dma_wait3A_56 : memref<80x128xi32, #tpu.memory_space<hbm>>) dst(%arg7 : memref<80x128xi32, #tpu.memory_space<vmem>>)
      tpu.yield
    }) : () -> ()
    "tpu.region"() ({
      %run_scoped3A = tpu.sem_alloc : memref<!tpu.dma_semaphore, #tpu.memory_space<semaphore_mem>>
      %dma_start3A_41 = arith.constant 0 : i32
      %dma_start3A_42 = arith.constant 0 : i32
      %dma_start3A_43 = tpu.memref_slice %arg4[%add3A, %dma_start3A_41, %dma_start3A_42] : memref<32x80x128xi32, #tpu.memory_space<hbm>> -> memref<1x80x128xi32, #tpu.memory_space<hbm>>
      %dma_start3A_44 = tpu.memref_squeeze %dma_start3A_43 : memref<1x80x128xi32, #tpu.memory_space<hbm>> -> memref<80x128xi32, #tpu.memory_space<hbm>>
      %dma_start3A_45 = arith.constant 0 : i32
      %dma_start3A_46 = arith.constant 0 : i32
      %dma_start3A_47 = tpu.memref_slice %arg4[%add3A, %dma_start3A_45, %dma_start3A_46] : memref<32x80x128xi32, #tpu.memory_space<hbm>> -> memref<1x80x128xi32, #tpu.memory_space<hbm>>
      %dma_start3A_48 = tpu.memref_squeeze %dma_start3A_47 : memref<1x80x128xi32, #tpu.memory_space<hbm>> -> memref<80x128xi32, #tpu.memory_space<hbm>>
      tpu.enqueue_dma source(%dma_start3A_48 : memref<80x128xi32, #tpu.memory_space<hbm>>) target(%arg8 : memref<80x128xi32, #tpu.memory_space<vmem>>) target_semaphore(%run_scoped3A : memref<!tpu.dma_semaphore, #tpu.memory_space<semaphore_mem>>)
      %dma_wait3A_49 = arith.constant 0 : i32
      %dma_wait3A_50 = arith.constant 0 : i32
      %dma_wait3A_51 = tpu.memref_slice %arg4[%add3A, %dma_wait3A_49, %dma_wait3A_50] : memref<32x80x128xi32, #tpu.memory_space<hbm>> -> memref<1x80x128xi32, #tpu.memory_space<hbm>>
      %dma_wait3A_52 = tpu.memref_squeeze %dma_wait3A_51 : memref<1x80x128xi32, #tpu.memory_space<hbm>> -> memref<80x128xi32, #tpu.memory_space<hbm>>
      %dma_wait3A_53 = arith.constant 0 : i32
      %dma_wait3A_54 = arith.constant 0 : i32
      %dma_wait3A_55 = tpu.memref_slice %arg4[%add3A, %dma_wait3A_53, %dma_wait3A_54] : memref<32x80x128xi32, #tpu.memory_space<hbm>> -> memref<1x80x128xi32, #tpu.memory_space<hbm>>
      %dma_wait3A_56 = tpu.memref_squeeze %dma_wait3A_55 : memref<1x80x128xi32, #tpu.memory_space<hbm>> -> memref<80x128xi32, #tpu.memory_space<hbm>>
      tpu.wait_dma2 semaphore(%run_scoped3A : memref<!tpu.dma_semaphore, #tpu.memory_space<semaphore_mem>>) src(%dma_wait3A_56 : memref<80x128xi32, #tpu.memory_space<hbm>>) dst(%arg8 : memref<80x128xi32, #tpu.memory_space<vmem>>)
      tpu.yield
    }) : () -> ()
    %barrier3A = arith.constant 0 : index
    tpu.barrier barrier_id(%barrier3A)
    %dma_start3A = arith.constant 0 : i32
    %dma_start3A_5 = arith.constant 0 : i32
    %dma_start3A_6 = tpu.memref_slice %arg7[%dma_start3A, %dma_start3A_5] : memref<80x128xi32, #tpu.memory_space<vmem>> -> memref<1x128xi32, #tpu.memory_space<vmem>>
    %dma_start3A_7 = tpu.memref_squeeze %dma_start3A_6 : memref<1x128xi32, #tpu.memory_space<vmem>> -> memref<128xi32, #tpu.memory_space<vmem>>
    %dma_start3A_8 = arith.constant 0 : i32
    %dma_start3A_9 = arith.constant 0 : i32
    %dma_start3A_10 = tpu.memref_slice %arg2[%dma_start3A_8, %dma_start3A_9] : memref<10240x16xf32, #tpu.memory_space<hbm>> -> memref<10240x16xf32, #tpu.memory_space<hbm>>
    tpu.enqueue_indirect_dma source(%dma_start3A_10 : memref<10240x16xf32, #tpu.memory_space<hbm>>) target(%arg9 : memref<128x16xf32, #tpu.memory_space<vmem>>) offsets(%dma_start3A_7 : memref<128xi32, #tpu.memory_space<vmem>>) semaphore(%arg14 : memref<!tpu.dma_semaphore, #tpu.memory_space<semaphore_mem>>)
    %dma_start3A_11 = arith.constant 1 : i32
    %dma_start3A_12 = arith.constant 0 : i32
    %dma_start3A_13 = tpu.memref_slice %arg7[%dma_start3A_11, %dma_start3A_12] : memref<80x128xi32, #tpu.memory_space<vmem>> -> memref<1x128xi32, #tpu.memory_space<vmem>>
    %dma_start3A_14 = tpu.memref_squeeze %dma_start3A_13 : memref<1x128xi32, #tpu.memory_space<vmem>> -> memref<128xi32, #tpu.memory_space<vmem>>
    %dma_start3A_15 = arith.constant 0 : i32
    %dma_start3A_16 = arith.constant 0 : i32
    %dma_start3A_17 = tpu.memref_slice %arg2[%dma_start3A_15, %dma_start3A_16] : memref<10240x16xf32, #tpu.memory_space<hbm>> -> memref<10240x16xf32, #tpu.memory_space<hbm>>
    tpu.enqueue_indirect_dma source(%dma_start3A_17 : memref<10240x16xf32, #tpu.memory_space<hbm>>) target(%arg10 : memref<128x16xf32, #tpu.memory_space<vmem>>) offsets(%dma_start3A_14 : memref<128xi32, #tpu.memory_space<vmem>>) semaphore(%arg15 : memref<!tpu.dma_semaphore, #tpu.memory_space<semaphore_mem>>)
    %scan3A = arith.constant 0 : i32
    %scan3A_18 = arith.constant 0 : i32
    %scan3A_19 = arith.constant 20 : i32
    %scan3A_20 = arith.addi %scan3A_18, %scan3A_19 : i32
    %scan3A_21 = arith.constant 1 : i32
    scf.for %scan3A_41 = %scan3A_18 to %scan3A_20 step %scan3A_21  : i32 {
      %mul3A_42 = arith.constant 4 : i32
      %mul3A_43 = arith.muli %mul3A_42, %scan3A_41 : i32
      %add3A_44 = arith.constant 0 : i32
      %add3A_45 = arith.addi %mul3A_43, %add3A_44 : i32
      %dma_wait3A_46 = arith.constant 0 : i32
      %dma_wait3A_47 = tpu.memref_slice %arg7[%add3A_45, %dma_wait3A_46] : memref<80x128xi32, #tpu.memory_space<vmem>> -> memref<1x128xi32, #tpu.memory_space<vmem>>
      %dma_wait3A_48 = tpu.memref_squeeze %dma_wait3A_47 : memref<1x128xi32, #tpu.memory_space<vmem>> -> memref<128xi32, #tpu.memory_space<vmem>>
      %dma_wait3A_49 = arith.constant 0 : i32
      %dma_wait3A_50 = arith.constant 0 : i32
      %dma_wait3A_51 = tpu.memref_slice %arg2[%dma_wait3A_49, %dma_wait3A_50] : memref<10240x16xf32, #tpu.memory_space<hbm>> -> memref<10240x16xf32, #tpu.memory_space<hbm>>
      tpu.wait_indirect_dma semaphore(%arg14 : memref<!tpu.dma_semaphore, #tpu.memory_space<semaphore_mem>>) src(%dma_wait3A_51 : memref<10240x16xf32, #tpu.memory_space<hbm>>) dst(%arg9 : memref<128x16xf32, #tpu.memory_space<vmem>>)
      %dma_start3A_52 = arith.constant 0 : i32
      %dma_start3A_53 = tpu.memref_slice %arg8[%add3A_45, %dma_start3A_52] : memref<80x128xi32, #tpu.memory_space<vmem>> -> memref<1x128xi32, #tpu.memory_space<vmem>>
      %dma_start3A_54 = tpu.memref_squeeze %dma_start3A_53 : memref<1x128xi32, #tpu.memory_space<vmem>> -> memref<128xi32, #tpu.memory_space<vmem>>
      %dma_start3A_55 = arith.constant 0 : i32
      %dma_start3A_56 = arith.constant 0 : i32
      %dma_start3A_57 = tpu.memref_slice %arg13[%dma_start3A_55, %dma_start3A_56] : memref<10240x16xf32, #tpu.memory_space<vmem_shared>> -> memref<10240x16xf32, #tpu.memory_space<vmem_shared>>
      tpu.enqueue_indirect_dma source(%arg9 : memref<128x16xf32, #tpu.memory_space<vmem>>) target(%dma_start3A_57 : memref<10240x16xf32, #tpu.memory_space<vmem_shared>>) offsets(%dma_start3A_54 : memref<128xi32, #tpu.memory_space<vmem>>) semaphore(%arg18 : memref<!tpu.dma_semaphore, #tpu.memory_space<semaphore_mem>>) {add = true}
      %ge3A = arith.constant 2 : i32
      %ge3A_58 = arith.cmpi sge, %add3A_45, %ge3A : i32
      %convert_element_type3A = arith.extui %ge3A_58 : i1 to i32
      %cond3A = arith.constant 0 : i32
      %cond3A_59 = arith.cmpi ne, %convert_element_type3A, %cond3A : i32
      scf.if %cond3A_59 {
        %sub3A = arith.constant 2 : i32
        %sub3A_150 = arith.subi %add3A_45, %sub3A : i32
        %dma_wait3A_151 = arith.constant 0 : i32
        %dma_wait3A_152 = tpu.memref_slice %arg8[%sub3A_150, %dma_wait3A_151] : memref<80x128xi32, #tpu.memory_space<vmem>> -> memref<1x128xi32, #tpu.memory_space<vmem>>
        %dma_wait3A_153 = tpu.memref_squeeze %dma_wait3A_152 : memref<1x128xi32, #tpu.memory_space<vmem>> -> memref<128xi32, #tpu.memory_space<vmem>>
        %dma_wait3A_154 = arith.constant 0 : i32
        %dma_wait3A_155 = arith.constant 0 : i32
        %dma_wait3A_156 = tpu.memref_slice %arg13[%dma_wait3A_154, %dma_wait3A_155] : memref<10240x16xf32, #tpu.memory_space<vmem_shared>> -> memref<10240x16xf32, #tpu.memory_space<vmem_shared>>
        tpu.wait_indirect_dma semaphore(%arg20 : memref<!tpu.dma_semaphore, #tpu.memory_space<semaphore_mem>>) src(%arg11 : memref<128x16xf32, #tpu.memory_space<vmem>>) dst(%dma_wait3A_156 : memref<10240x16xf32, #tpu.memory_space<vmem_shared>>)
      } else {
      }
      %add3A_60 = arith.constant 2 : i32
      %add3A_61 = arith.addi %add3A_45, %add3A_60 : i32
      %lt3A = arith.constant 80 : i32
      %lt3A_62 = arith.cmpi slt, %add3A_61, %lt3A : i32
      %convert_element_type3A_63 = arith.extui %lt3A_62 : i1 to i32
      %cond3A_64 = arith.constant 0 : i32
      %cond3A_65 = arith.cmpi ne, %convert_element_type3A_63, %cond3A_64 : i32
      scf.if %cond3A_65 {
        %add3A_150 = arith.constant 2 : i32
        %add3A_151 = arith.addi %add3A_45, %add3A_150 : i32
        %dma_start3A_152 = arith.constant 0 : i32
        %dma_start3A_153 = tpu.memref_slice %arg7[%add3A_151, %dma_start3A_152] : memref<80x128xi32, #tpu.memory_space<vmem>> -> memref<1x128xi32, #tpu.memory_space<vmem>>
        %dma_start3A_154 = tpu.memref_squeeze %dma_start3A_153 : memref<1x128xi32, #tpu.memory_space<vmem>> -> memref<128xi32, #tpu.memory_space<vmem>>
        %dma_start3A_155 = arith.constant 0 : i32
        %dma_start3A_156 = arith.constant 0 : i32
        %dma_start3A_157 = tpu.memref_slice %arg2[%dma_start3A_155, %dma_start3A_156] : memref<10240x16xf32, #tpu.memory_space<hbm>> -> memref<10240x16xf32, #tpu.memory_space<hbm>>
        tpu.enqueue_indirect_dma source(%dma_start3A_157 : memref<10240x16xf32, #tpu.memory_space<hbm>>) target(%arg11 : memref<128x16xf32, #tpu.memory_space<vmem>>) offsets(%dma_start3A_154 : memref<128xi32, #tpu.memory_space<vmem>>) semaphore(%arg16 : memref<!tpu.dma_semaphore, #tpu.memory_space<semaphore_mem>>)
      } else {
      }
      %mul3A_66 = arith.constant 4 : i32
      %mul3A_67 = arith.muli %mul3A_66, %scan3A_41 : i32
      %add3A_68 = arith.constant 1 : i32
      %add3A_69 = arith.addi %mul3A_67, %add3A_68 : i32
      %dma_wait3A_70 = arith.constant 0 : i32
      %dma_wait3A_71 = tpu.memref_slice %arg7[%add3A_69, %dma_wait3A_70] : memref<80x128xi32, #tpu.memory_space<vmem>> -> memref<1x128xi32, #tpu.memory_space<vmem>>
      %dma_wait3A_72 = tpu.memref_squeeze %dma_wait3A_71 : memref<1x128xi32, #tpu.memory_space<vmem>> -> memref<128xi32, #tpu.memory_space<vmem>>
      %dma_wait3A_73 = arith.constant 0 : i32
      %dma_wait3A_74 = arith.constant 0 : i32
      %dma_wait3A_75 = tpu.memref_slice %arg2[%dma_wait3A_73, %dma_wait3A_74] : memref<10240x16xf32, #tpu.memory_space<hbm>> -> memref<10240x16xf32, #tpu.memory_space<hbm>>
      tpu.wait_indirect_dma semaphore(%arg15 : memref<!tpu.dma_semaphore, #tpu.memory_space<semaphore_mem>>) src(%dma_wait3A_75 : memref<10240x16xf32, #tpu.memory_space<hbm>>) dst(%arg10 : memref<128x16xf32, #tpu.memory_space<vmem>>)
      %dma_start3A_76 = arith.constant 0 : i32
      %dma_start3A_77 = tpu.memref_slice %arg8[%add3A_69, %dma_start3A_76] : memref<80x128xi32, #tpu.memory_space<vmem>> -> memref<1x128xi32, #tpu.memory_space<vmem>>
      %dma_start3A_78 = tpu.memref_squeeze %dma_start3A_77 : memref<1x128xi32, #tpu.memory_space<vmem>> -> memref<128xi32, #tpu.memory_space<vmem>>
      %dma_start3A_79 = arith.constant 0 : i32
      %dma_start3A_80 = arith.constant 0 : i32
      %dma_start3A_81 = tpu.memref_slice %arg13[%dma_start3A_79, %dma_start3A_80] : memref<10240x16xf32, #tpu.memory_space<vmem_shared>> -> memref<10240x16xf32, #tpu.memory_space<vmem_shared>>
      tpu.enqueue_indirect_dma source(%arg10 : memref<128x16xf32, #tpu.memory_space<vmem>>) target(%dma_start3A_81 : memref<10240x16xf32, #tpu.memory_space<vmem_shared>>) offsets(%dma_start3A_78 : memref<128xi32, #tpu.memory_space<vmem>>) semaphore(%arg19 : memref<!tpu.dma_semaphore, #tpu.memory_space<semaphore_mem>>) {add = true}
      %ge3A_82 = arith.constant 2 : i32
      %ge3A_83 = arith.cmpi sge, %add3A_69, %ge3A_82 : i32
      %convert_element_type3A_84 = arith.extui %ge3A_83 : i1 to i32
      %cond3A_85 = arith.constant 0 : i32
      %cond3A_86 = arith.cmpi ne, %convert_element_type3A_84, %cond3A_85 : i32
      scf.if %cond3A_86 {
        %sub3A = arith.constant 2 : i32
        %sub3A_150 = arith.subi %add3A_69, %sub3A : i32
        %dma_wait3A_151 = arith.constant 0 : i32
        %dma_wait3A_152 = tpu.memref_slice %arg8[%sub3A_150, %dma_wait3A_151] : memref<80x128xi32, #tpu.memory_space<vmem>> -> memref<1x128xi32, #tpu.memory_space<vmem>>
        %dma_wait3A_153 = tpu.memref_squeeze %dma_wait3A_152 : memref<1x128xi32, #tpu.memory_space<vmem>> -> memref<128xi32, #tpu.memory_space<vmem>>
        %dma_wait3A_154 = arith.constant 0 : i32
        %dma_wait3A_155 = arith.constant 0 : i32
        %dma_wait3A_156 = tpu.memref_slice %arg13[%dma_wait3A_154, %dma_wait3A_155] : memref<10240x16xf32, #tpu.memory_space<vmem_shared>> -> memref<10240x16xf32, #tpu.memory_space<vmem_shared>>
        tpu.wait_indirect_dma semaphore(%arg21 : memref<!tpu.dma_semaphore, #tpu.memory_space<semaphore_mem>>) src(%arg12 : memref<128x16xf32, #tpu.memory_space<vmem>>) dst(%dma_wait3A_156 : memref<10240x16xf32, #tpu.memory_space<vmem_shared>>)
      } else {
      }
      %add3A_87 = arith.constant 2 : i32
      %add3A_88 = arith.addi %add3A_69, %add3A_87 : i32
      %lt3A_89 = arith.constant 80 : i32
      %lt3A_90 = arith.cmpi slt, %add3A_88, %lt3A_89 : i32
      %convert_element_type3A_91 = arith.extui %lt3A_90 : i1 to i32
      %cond3A_92 = arith.constant 0 : i32
      %cond3A_93 = arith.cmpi ne, %convert_element_type3A_91, %cond3A_92 : i32
      scf.if %cond3A_93 {
        %add3A_150 = arith.constant 2 : i32
        %add3A_151 = arith.addi %add3A_69, %add3A_150 : i32
        %dma_start3A_152 = arith.constant 0 : i32
        %dma_start3A_153 = tpu.memref_slice %arg7[%add3A_151, %dma_start3A_152] : memref<80x128xi32, #tpu.memory_space<vmem>> -> memref<1x128xi32, #tpu.memory_space<vmem>>
        %dma_start3A_154 = tpu.memref_squeeze %dma_start3A_153 : memref<1x128xi32, #tpu.memory_space<vmem>> -> memref<128xi32, #tpu.memory_space<vmem>>
        %dma_start3A_155 = arith.constant 0 : i32
        %dma_start3A_156 = arith.constant 0 : i32
        %dma_start3A_157 = tpu.memref_slice %arg2[%dma_start3A_155, %dma_start3A_156] : memref<10240x16xf32, #tpu.memory_space<hbm>> -> memref<10240x16xf32, #tpu.memory_space<hbm>>
        tpu.enqueue_indirect_dma source(%dma_start3A_157 : memref<10240x16xf32, #tpu.memory_space<hbm>>) target(%arg12 : memref<128x16xf32, #tpu.memory_space<vmem>>) offsets(%dma_start3A_154 : memref<128xi32, #tpu.memory_space<vmem>>) semaphore(%arg17 : memref<!tpu.dma_semaphore, #tpu.memory_space<semaphore_mem>>)
      } else {
      }
      %mul3A_94 = arith.constant 4 : i32
      %mul3A_95 = arith.muli %mul3A_94, %scan3A_41 : i32
      %add3A_96 = arith.constant 2 : i32
      %add3A_97 = arith.addi %mul3A_95, %add3A_96 : i32
      %dma_wait3A_98 = arith.constant 0 : i32
      %dma_wait3A_99 = tpu.memref_slice %arg7[%add3A_97, %dma_wait3A_98] : memref<80x128xi32, #tpu.memory_space<vmem>> -> memref<1x128xi32, #tpu.memory_space<vmem>>
      %dma_wait3A_100 = tpu.memref_squeeze %dma_wait3A_99 : memref<1x128xi32, #tpu.memory_space<vmem>> -> memref<128xi32, #tpu.memory_space<vmem>>
      %dma_wait3A_101 = arith.constant 0 : i32
      %dma_wait3A_102 = arith.constant 0 : i32
      %dma_wait3A_103 = tpu.memref_slice %arg2[%dma_wait3A_101, %dma_wait3A_102] : memref<10240x16xf32, #tpu.memory_space<hbm>> -> memref<10240x16xf32, #tpu.memory_space<hbm>>
      tpu.wait_indirect_dma semaphore(%arg16 : memref<!tpu.dma_semaphore, #tpu.memory_space<semaphore_mem>>) src(%dma_wait3A_103 : memref<10240x16xf32, #tpu.memory_space<hbm>>) dst(%arg11 : memref<128x16xf32, #tpu.memory_space<vmem>>)
      %dma_start3A_104 = arith.constant 0 : i32
      %dma_start3A_105 = tpu.memref_slice %arg8[%add3A_97, %dma_start3A_104] : memref<80x128xi32, #tpu.memory_space<vmem>> -> memref<1x128xi32, #tpu.memory_space<vmem>>
      %dma_start3A_106 = tpu.memref_squeeze %dma_start3A_105 : memref<1x128xi32, #tpu.memory_space<vmem>> -> memref<128xi32, #tpu.memory_space<vmem>>
      %dma_start3A_107 = arith.constant 0 : i32
      %dma_start3A_108 = arith.constant 0 : i32
      %dma_start3A_109 = tpu.memref_slice %arg13[%dma_start3A_107, %dma_start3A_108] : memref<10240x16xf32, #tpu.memory_space<vmem_shared>> -> memref<10240x16xf32, #tpu.memory_space<vmem_shared>>
      tpu.enqueue_indirect_dma source(%arg11 : memref<128x16xf32, #tpu.memory_space<vmem>>) target(%dma_start3A_109 : memref<10240x16xf32, #tpu.memory_space<vmem_shared>>) offsets(%dma_start3A_106 : memref<128xi32, #tpu.memory_space<vmem>>) semaphore(%arg20 : memref<!tpu.dma_semaphore, #tpu.memory_space<semaphore_mem>>) {add = true}
      %ge3A_110 = arith.constant 2 : i32
      %ge3A_111 = arith.cmpi sge, %add3A_97, %ge3A_110 : i32
      %convert_element_type3A_112 = arith.extui %ge3A_111 : i1 to i32
      %cond3A_113 = arith.constant 0 : i32
      %cond3A_114 = arith.cmpi ne, %convert_element_type3A_112, %cond3A_113 : i32
      scf.if %cond3A_114 {
        %sub3A = arith.constant 2 : i32
        %sub3A_150 = arith.subi %add3A_97, %sub3A : i32
        %dma_wait3A_151 = arith.constant 0 : i32
        %dma_wait3A_152 = tpu.memref_slice %arg8[%sub3A_150, %dma_wait3A_151] : memref<80x128xi32, #tpu.memory_space<vmem>> -> memref<1x128xi32, #tpu.memory_space<vmem>>
        %dma_wait3A_153 = tpu.memref_squeeze %dma_wait3A_152 : memref<1x128xi32, #tpu.memory_space<vmem>> -> memref<128xi32, #tpu.memory_space<vmem>>
        %dma_wait3A_154 = arith.constant 0 : i32
        %dma_wait3A_155 = arith.constant 0 : i32
        %dma_wait3A_156 = tpu.memref_slice %arg13[%dma_wait3A_154, %dma_wait3A_155] : memref<10240x16xf32, #tpu.memory_space<vmem_shared>> -> memref<10240x16xf32, #tpu.memory_space<vmem_shared>>
        tpu.wait_indirect_dma semaphore(%arg18 : memref<!tpu.dma_semaphore, #tpu.memory_space<semaphore_mem>>) src(%arg9 : memref<128x16xf32, #tpu.memory_space<vmem>>) dst(%dma_wait3A_156 : memref<10240x16xf32, #tpu.memory_space<vmem_shared>>)
      } else {
      }
      %add3A_115 = arith.constant 2 : i32
      %add3A_116 = arith.addi %add3A_97, %add3A_115 : i32
      %lt3A_117 = arith.constant 80 : i32
      %lt3A_118 = arith.cmpi slt, %add3A_116, %lt3A_117 : i32
      %convert_element_type3A_119 = arith.extui %lt3A_118 : i1 to i32
      %cond3A_120 = arith.constant 0 : i32
      %cond3A_121 = arith.cmpi ne, %convert_element_type3A_119, %cond3A_120 : i32
      scf.if %cond3A_121 {
        %add3A_150 = arith.constant 2 : i32
        %add3A_151 = arith.addi %add3A_97, %add3A_150 : i32
        %dma_start3A_152 = arith.constant 0 : i32
        %dma_start3A_153 = tpu.memref_slice %arg7[%add3A_151, %dma_start3A_152] : memref<80x128xi32, #tpu.memory_space<vmem>> -> memref<1x128xi32, #tpu.memory_space<vmem>>
        %dma_start3A_154 = tpu.memref_squeeze %dma_start3A_153 : memref<1x128xi32, #tpu.memory_space<vmem>> -> memref<128xi32, #tpu.memory_space<vmem>>
        %dma_start3A_155 = arith.constant 0 : i32
        %dma_start3A_156 = arith.constant 0 : i32
        %dma_start3A_157 = tpu.memref_slice %arg2[%dma_start3A_155, %dma_start3A_156] : memref<10240x16xf32, #tpu.memory_space<hbm>> -> memref<10240x16xf32, #tpu.memory_space<hbm>>
        tpu.enqueue_indirect_dma source(%dma_start3A_157 : memref<10240x16xf32, #tpu.memory_space<hbm>>) target(%arg9 : memref<128x16xf32, #tpu.memory_space<vmem>>) offsets(%dma_start3A_154 : memref<128xi32, #tpu.memory_space<vmem>>) semaphore(%arg14 : memref<!tpu.dma_semaphore, #tpu.memory_space<semaphore_mem>>)
      } else {
      }
      %mul3A_122 = arith.constant 4 : i32
      %mul3A_123 = arith.muli %mul3A_122, %scan3A_41 : i32
      %add3A_124 = arith.constant 3 : i32
      %add3A_125 = arith.addi %mul3A_123, %add3A_124 : i32
      %dma_wait3A_126 = arith.constant 0 : i32
      %dma_wait3A_127 = tpu.memref_slice %arg7[%add3A_125, %dma_wait3A_126] : memref<80x128xi32, #tpu.memory_space<vmem>> -> memref<1x128xi32, #tpu.memory_space<vmem>>
      %dma_wait3A_128 = tpu.memref_squeeze %dma_wait3A_127 : memref<1x128xi32, #tpu.memory_space<vmem>> -> memref<128xi32, #tpu.memory_space<vmem>>
      %dma_wait3A_129 = arith.constant 0 : i32
      %dma_wait3A_130 = arith.constant 0 : i32
      %dma_wait3A_131 = tpu.memref_slice %arg2[%dma_wait3A_129, %dma_wait3A_130] : memref<10240x16xf32, #tpu.memory_space<hbm>> -> memref<10240x16xf32, #tpu.memory_space<hbm>>
      tpu.wait_indirect_dma semaphore(%arg17 : memref<!tpu.dma_semaphore, #tpu.memory_space<semaphore_mem>>) src(%dma_wait3A_131 : memref<10240x16xf32, #tpu.memory_space<hbm>>) dst(%arg12 : memref<128x16xf32, #tpu.memory_space<vmem>>)
      %dma_start3A_132 = arith.constant 0 : i32
      %dma_start3A_133 = tpu.memref_slice %arg8[%add3A_125, %dma_start3A_132] : memref<80x128xi32, #tpu.memory_space<vmem>> -> memref<1x128xi32, #tpu.memory_space<vmem>>
      %dma_start3A_134 = tpu.memref_squeeze %dma_start3A_133 : memref<1x128xi32, #tpu.memory_space<vmem>> -> memref<128xi32, #tpu.memory_space<vmem>>
      %dma_start3A_135 = arith.constant 0 : i32
      %dma_start3A_136 = arith.constant 0 : i32
      %dma_start3A_137 = tpu.memref_slice %arg13[%dma_start3A_135, %dma_start3A_136] : memref<10240x16xf32, #tpu.memory_space<vmem_shared>> -> memref<10240x16xf32, #tpu.memory_space<vmem_shared>>
      tpu.enqueue_indirect_dma source(%arg12 : memref<128x16xf32, #tpu.memory_space<vmem>>) target(%dma_start3A_137 : memref<10240x16xf32, #tpu.memory_space<vmem_shared>>) offsets(%dma_start3A_134 : memref<128xi32, #tpu.memory_space<vmem>>) semaphore(%arg21 : memref<!tpu.dma_semaphore, #tpu.memory_space<semaphore_mem>>) {add = true}
      %ge3A_138 = arith.constant 2 : i32
      %ge3A_139 = arith.cmpi sge, %add3A_125, %ge3A_138 : i32
      %convert_element_type3A_140 = arith.extui %ge3A_139 : i1 to i32
      %cond3A_141 = arith.constant 0 : i32
      %cond3A_142 = arith.cmpi ne, %convert_element_type3A_140, %cond3A_141 : i32
      scf.if %cond3A_142 {
        %sub3A = arith.constant 2 : i32
        %sub3A_150 = arith.subi %add3A_125, %sub3A : i32
        %dma_wait3A_151 = arith.constant 0 : i32
        %dma_wait3A_152 = tpu.memref_slice %arg8[%sub3A_150, %dma_wait3A_151] : memref<80x128xi32, #tpu.memory_space<vmem>> -> memref<1x128xi32, #tpu.memory_space<vmem>>
        %dma_wait3A_153 = tpu.memref_squeeze %dma_wait3A_152 : memref<1x128xi32, #tpu.memory_space<vmem>> -> memref<128xi32, #tpu.memory_space<vmem>>
        %dma_wait3A_154 = arith.constant 0 : i32
        %dma_wait3A_155 = arith.constant 0 : i32
        %dma_wait3A_156 = tpu.memref_slice %arg13[%dma_wait3A_154, %dma_wait3A_155] : memref<10240x16xf32, #tpu.memory_space<vmem_shared>> -> memref<10240x16xf32, #tpu.memory_space<vmem_shared>>
        tpu.wait_indirect_dma semaphore(%arg19 : memref<!tpu.dma_semaphore, #tpu.memory_space<semaphore_mem>>) src(%arg10 : memref<128x16xf32, #tpu.memory_space<vmem>>) dst(%dma_wait3A_156 : memref<10240x16xf32, #tpu.memory_space<vmem_shared>>)
      } else {
      }
      %add3A_143 = arith.constant 2 : i32
      %add3A_144 = arith.addi %add3A_125, %add3A_143 : i32
      %lt3A_145 = arith.constant 80 : i32
      %lt3A_146 = arith.cmpi slt, %add3A_144, %lt3A_145 : i32
      %convert_element_type3A_147 = arith.extui %lt3A_146 : i1 to i32
      %cond3A_148 = arith.constant 0 : i32
      %cond3A_149 = arith.cmpi ne, %convert_element_type3A_147, %cond3A_148 : i32
      scf.if %cond3A_149 {
        %add3A_150 = arith.constant 2 : i32
        %add3A_151 = arith.addi %add3A_125, %add3A_150 : i32
        %dma_start3A_152 = arith.constant 0 : i32
        %dma_start3A_153 = tpu.memref_slice %arg7[%add3A_151, %dma_start3A_152] : memref<80x128xi32, #tpu.memory_space<vmem>> -> memref<1x128xi32, #tpu.memory_space<vmem>>
        %dma_start3A_154 = tpu.memref_squeeze %dma_start3A_153 : memref<1x128xi32, #tpu.memory_space<vmem>> -> memref<128xi32, #tpu.memory_space<vmem>>
        %dma_start3A_155 = arith.constant 0 : i32
        %dma_start3A_156 = arith.constant 0 : i32
        %dma_start3A_157 = tpu.memref_slice %arg2[%dma_start3A_155, %dma_start3A_156] : memref<10240x16xf32, #tpu.memory_space<hbm>> -> memref<10240x16xf32, #tpu.memory_space<hbm>>
        tpu.enqueue_indirect_dma source(%dma_start3A_157 : memref<10240x16xf32, #tpu.memory_space<hbm>>) target(%arg10 : memref<128x16xf32, #tpu.memory_space<vmem>>) offsets(%dma_start3A_154 : memref<128xi32, #tpu.memory_space<vmem>>) semaphore(%arg15 : memref<!tpu.dma_semaphore, #tpu.memory_space<semaphore_mem>>)
      } else {
      }
    }
    %scan3A_22 = arith.constant 20 : i32
    %dma_wait3A = arith.constant 78 : i32
    %dma_wait3A_23 = arith.constant 0 : i32
    %dma_wait3A_24 = tpu.memref_slice %arg8[%dma_wait3A, %dma_wait3A_23] : memref<80x128xi32, #tpu.memory_space<vmem>> -> memref<1x128xi32, #tpu.memory_space<vmem>>
    %dma_wait3A_25 = tpu.memref_squeeze %dma_wait3A_24 : memref<1x128xi32, #tpu.memory_space<vmem>> -> memref<128xi32, #tpu.memory_space<vmem>>
    %dma_wait3A_26 = arith.constant 0 : i32
    %dma_wait3A_27 = arith.constant 0 : i32
    %dma_wait3A_28 = tpu.memref_slice %arg13[%dma_wait3A_26, %dma_wait3A_27] : memref<10240x16xf32, #tpu.memory_space<vmem_shared>> -> memref<10240x16xf32, #tpu.memory_space<vmem_shared>>
    tpu.wait_indirect_dma semaphore(%arg20 : memref<!tpu.dma_semaphore, #tpu.memory_space<semaphore_mem>>) src(%arg11 : memref<128x16xf32, #tpu.memory_space<vmem>>) dst(%dma_wait3A_28 : memref<10240x16xf32, #tpu.memory_space<vmem_shared>>)
    %dma_wait3A_29 = arith.constant 79 : i32
    %dma_wait3A_30 = arith.constant 0 : i32
    %dma_wait3A_31 = tpu.memref_slice %arg8[%dma_wait3A_29, %dma_wait3A_30] : memref<80x128xi32, #tpu.memory_space<vmem>> -> memref<1x128xi32, #tpu.memory_space<vmem>>
    %dma_wait3A_32 = tpu.memref_squeeze %dma_wait3A_31 : memref<1x128xi32, #tpu.memory_space<vmem>> -> memref<128xi32, #tpu.memory_space<vmem>>
    %dma_wait3A_33 = arith.constant 0 : i32
    %dma_wait3A_34 = arith.constant 0 : i32
    %dma_wait3A_35 = tpu.memref_slice %arg13[%dma_wait3A_33, %dma_wait3A_34] : memref<10240x16xf32, #tpu.memory_space<vmem_shared>> -> memref<10240x16xf32, #tpu.memory_space<vmem_shared>>
    tpu.wait_indirect_dma semaphore(%arg21 : memref<!tpu.dma_semaphore, #tpu.memory_space<semaphore_mem>>) src(%arg12 : memref<128x16xf32, #tpu.memory_space<vmem>>) dst(%dma_wait3A_35 : memref<10240x16xf32, #tpu.memory_space<vmem_shared>>)
    %barrier3A_36 = arith.constant 0 : index
    tpu.barrier barrier_id(%barrier3A_36)
    %mul3A_37 = arith.constant 640 : i32
    %mul3A_38 = arith.muli %arg1, %mul3A_37 : i32
    %mul3A_39 = arith.constant 640 : i32
    %mul3A_40 = arith.muli %arg1, %mul3A_39 : i32
    "tpu.region"() ({
      %run_scoped3A = tpu.sem_alloc : memref<!tpu.dma_semaphore, #tpu.memory_space<semaphore_mem>>
      %dma_start3A_41 = arith.constant 0 : i32
      %dma_start3A_42 = tpu.memref_slice %arg6[%arg0, %mul3A_40, %dma_start3A_41] : memref<2x10240x16xf32, #tpu.memory_space<hbm>> -> memref<1x640x16xf32, #tpu.memory_space<hbm>>
      %dma_start3A_43 = tpu.memref_squeeze %dma_start3A_42 : memref<1x640x16xf32, #tpu.memory_space<hbm>> -> memref<640x16xf32, #tpu.memory_space<hbm>>
      %dma_start3A_44 = arith.constant 0 : i32
      %dma_start3A_45 = tpu.memref_slice %arg13[%mul3A_38, %dma_start3A_44] : memref<10240x16xf32, #tpu.memory_space<vmem_shared>> -> memref<640x16xf32, #tpu.memory_space<vmem_shared>>
      tpu.enqueue_dma source(%dma_start3A_45 : memref<640x16xf32, #tpu.memory_space<vmem_shared>>) target(%dma_start3A_43 : memref<640x16xf32, #tpu.memory_space<hbm>>) target_semaphore(%run_scoped3A : memref<!tpu.dma_semaphore, #tpu.memory_space<semaphore_mem>>)
      %dma_wait3A_46 = arith.constant 0 : i32
      %dma_wait3A_47 = tpu.memref_slice %arg6[%arg0, %mul3A_40, %dma_wait3A_46] : memref<2x10240x16xf32, #tpu.memory_space<hbm>> -> memref<1x640x16xf32, #tpu.memory_space<hbm>>
      %dma_wait3A_48 = tpu.memref_squeeze %dma_wait3A_47 : memref<1x640x16xf32, #tpu.memory_space<hbm>> -> memref<640x16xf32, #tpu.memory_space<hbm>>
      %dma_wait3A_49 = arith.constant 0 : i32
      %dma_wait3A_50 = tpu.memref_slice %arg13[%mul3A_38, %dma_wait3A_49] : memref<10240x16xf32, #tpu.memory_space<vmem_shared>> -> memref<640x16xf32, #tpu.memory_space<vmem_shared>>
      tpu.wait_dma2 semaphore(%run_scoped3A : memref<!tpu.dma_semaphore, #tpu.memory_space<semaphore_mem>>) src(%dma_wait3A_50 : memref<640x16xf32, #tpu.memory_space<vmem_shared>>) dst(%dma_wait3A_48 : memref<640x16xf32, #tpu.memory_space<hbm>>)
      tpu.yield
    }) : () -> ()
    return
  }
}

#map = affine_map<(d0, d1) -> (0, 0)>
module attributes {stable_mosaic.version = 14 : i64} {
  func.func @kd(%arg0: i32, %arg1: i32, %arg2: memref<32x10240xi32, #tpu.memory_space<hbm>>, %arg3: memref<32x10240xf32, #tpu.memory_space<hbm>>, %arg4: memref<10240xi32, #tpu.memory_space<vmem>>, %arg5: memref<10240xf32, #tpu.memory_space<vmem>>) attributes {dimension_semantics = [#tpu.dimension_semantics<core_parallel>, #tpu.dimension_semantics<subcore_parallel>], iteration_bounds = array<i64: 2, 16>, scalar_prefetch = 0 : i64, scratch_operands = 2 : i64, tpu.core_type = #tpu.core_type<sc_vector_subcore>, window_params = [{transform_indices = #map}, {transform_indices = #map}]} {
    %mul3A = arith.constant 2 : i32
    %mul3A_0 = arith.muli %arg1, %mul3A : i32
    %add3A = arith.addi %mul3A_0, %arg0 : i32
    "tpu.region"() ({
      %run_scoped3A = tpu.sem_alloc : memref<!tpu.dma_semaphore, #tpu.memory_space<semaphore_mem>>
      %dma_start3A = arith.constant 0 : i32
      %dma_start3A_15 = tpu.memref_slice %arg2[%add3A, %dma_start3A] : memref<32x10240xi32, #tpu.memory_space<hbm>> -> memref<1x10240xi32, #tpu.memory_space<hbm>>
      %dma_start3A_16 = tpu.memref_squeeze %dma_start3A_15 : memref<1x10240xi32, #tpu.memory_space<hbm>> -> memref<10240xi32, #tpu.memory_space<hbm>>
      %dma_start3A_17 = arith.constant 0 : i32
      %dma_start3A_18 = tpu.memref_slice %arg2[%add3A, %dma_start3A_17] : memref<32x10240xi32, #tpu.memory_space<hbm>> -> memref<1x10240xi32, #tpu.memory_space<hbm>>
      %dma_start3A_19 = tpu.memref_squeeze %dma_start3A_18 : memref<1x10240xi32, #tpu.memory_space<hbm>> -> memref<10240xi32, #tpu.memory_space<hbm>>
      tpu.enqueue_dma source(%dma_start3A_19 : memref<10240xi32, #tpu.memory_space<hbm>>) target(%arg4 : memref<10240xi32, #tpu.memory_space<vmem>>) target_semaphore(%run_scoped3A : memref<!tpu.dma_semaphore, #tpu.memory_space<semaphore_mem>>)
      %dma_wait3A = arith.constant 0 : i32
      %dma_wait3A_20 = tpu.memref_slice %arg2[%add3A, %dma_wait3A] : memref<32x10240xi32, #tpu.memory_space<hbm>> -> memref<1x10240xi32, #tpu.memory_space<hbm>>
      %dma_wait3A_21 = tpu.memref_squeeze %dma_wait3A_20 : memref<1x10240xi32, #tpu.memory_space<hbm>> -> memref<10240xi32, #tpu.memory_space<hbm>>
      %dma_wait3A_22 = arith.constant 0 : i32
      %dma_wait3A_23 = tpu.memref_slice %arg2[%add3A, %dma_wait3A_22] : memref<32x10240xi32, #tpu.memory_space<hbm>> -> memref<1x10240xi32, #tpu.memory_space<hbm>>
      %dma_wait3A_24 = tpu.memref_squeeze %dma_wait3A_23 : memref<1x10240xi32, #tpu.memory_space<hbm>> -> memref<10240xi32, #tpu.memory_space<hbm>>
      tpu.wait_dma2 semaphore(%run_scoped3A : memref<!tpu.dma_semaphore, #tpu.memory_space<semaphore_mem>>) src(%dma_wait3A_24 : memref<10240xi32, #tpu.memory_space<hbm>>) dst(%arg4 : memref<10240xi32, #tpu.memory_space<vmem>>)
      tpu.yield
    }) : () -> ()
    %broadcast_in_dim3A = arith.constant 0.000000e+00 : f32
    %broadcast_in_dim3A_1 = vector.broadcast %broadcast_in_dim3A : f32 to vector<16xf32>
    %broadcast_in_dim3A_2 = arith.constant 1.000000e+00 : f32
    %broadcast_in_dim3A_3 = vector.broadcast %broadcast_in_dim3A_2 : f32 to vector<16xf32>
    %scan3A = arith.constant 0 : i32
    %scan3A_4 = arith.constant 0 : i32
    %scan3A_5 = arith.constant 640 : i32
    %scan3A_6 = arith.addi %scan3A_4, %scan3A_5 : i32
    %scan3A_7 = arith.constant 1 : i32
    scf.for %scan3A_15 = %scan3A_4 to %scan3A_6 step %scan3A_7  : i32 {
      %mul3A_16 = arith.constant 16 : i32
      %mul3A_17 = arith.muli %scan3A_15, %mul3A_16 : i32
      %swap3A = arith.index_cast %mul3A_17 : i32 to index
      %swap3A_18 = tpu.vector_load %arg5[%swap3A] {strides = array<i32>} : memref<10240xf32, #tpu.memory_space<vmem>>, vector<16xf32>,
      tpu.vector_store %arg5[%swap3A], %broadcast_in_dim3A_1 {strides = array<i32>} : memref<10240xf32, #tpu.memory_space<vmem>>, vector<16xf32>,
    }
    %scan3A_8 = arith.constant 640 : i32
    %scan3A_9 = arith.constant 0 : i32
    %scan3A_10 = arith.constant 0 : i32
    %scan3A_11 = arith.constant 640 : i32
    %scan3A_12 = arith.addi %scan3A_10, %scan3A_11 : i32
    %scan3A_13 = arith.constant 1 : i32
    scf.for %scan3A_15 = %scan3A_10 to %scan3A_12 step %scan3A_13  : i32 {
      %mul3A_16 = arith.constant 16 : i32
      %mul3A_17 = arith.muli %scan3A_15, %mul3A_16 : i32
      %get3A = arith.index_cast %mul3A_17 : i32 to index
      %get3A_18 = tpu.vector_load %arg4[%get3A] {strides = array<i32>} : memref<10240xi32, #tpu.memory_space<vmem>>, vector<16xi32>,
      tpu.vector_store_idx %arg5[%get3A_18], %broadcast_in_dim3A_3 {add = true} : memref<10240xf32, #tpu.memory_space<vmem>>[vector<16xi32>], vector<16xf32>,
    }
    %scan3A_14 = arith.constant 640 : i32
    "tpu.region"() ({
      %run_scoped3A = tpu.sem_alloc : memref<!tpu.dma_semaphore, #tpu.memory_space<semaphore_mem>>
      %dma_start3A = arith.constant 0 : i32
      %dma_start3A_15 = tpu.memref_slice %arg3[%add3A, %dma_start3A] : memref<32x10240xf32, #tpu.memory_space<hbm>> -> memref<1x10240xf32, #tpu.memory_space<hbm>>
      %dma_start3A_16 = tpu.memref_squeeze %dma_start3A_15 : memref<1x10240xf32, #tpu.memory_space<hbm>> -> memref<10240xf32, #tpu.memory_space<hbm>>
      %dma_start3A_17 = arith.constant 0 : i32
      %dma_start3A_18 = tpu.memref_slice %arg3[%add3A, %dma_start3A_17] : memref<32x10240xf32, #tpu.memory_space<hbm>> -> memref<1x10240xf32, #tpu.memory_space<hbm>>
      %dma_start3A_19 = tpu.memref_squeeze %dma_start3A_18 : memref<1x10240xf32, #tpu.memory_space<hbm>> -> memref<10240xf32, #tpu.memory_space<hbm>>
      tpu.enqueue_dma source(%arg5 : memref<10240xf32, #tpu.memory_space<vmem>>) target(%dma_start3A_19 : memref<10240xf32, #tpu.memory_space<hbm>>) target_semaphore(%run_scoped3A : memref<!tpu.dma_semaphore, #tpu.memory_space<semaphore_mem>>)
      %dma_wait3A = arith.constant 0 : i32
      %dma_wait3A_20 = tpu.memref_slice %arg3[%add3A, %dma_wait3A] : memref<32x10240xf32, #tpu.memory_space<hbm>> -> memref<1x10240xf32, #tpu.memory_space<hbm>>
      %dma_wait3A_21 = tpu.memref_squeeze %dma_wait3A_20 : memref<1x10240xf32, #tpu.memory_space<hbm>> -> memref<10240xf32, #tpu.memory_space<hbm>>
      %dma_wait3A_22 = arith.constant 0 : i32
      %dma_wait3A_23 = tpu.memref_slice %arg3[%add3A, %dma_wait3A_22] : memref<32x10240xf32, #tpu.memory_space<hbm>> -> memref<1x10240xf32, #tpu.memory_space<hbm>>
      %dma_wait3A_24 = tpu.memref_squeeze %dma_wait3A_23 : memref<1x10240xf32, #tpu.memory_space<hbm>> -> memref<10240xf32, #tpu.memory_space<hbm>>
      tpu.wait_dma2 semaphore(%run_scoped3A : memref<!tpu.dma_semaphore, #tpu.memory_space<semaphore_mem>>) src(%arg5 : memref<10240xf32, #tpu.memory_space<vmem>>) dst(%dma_wait3A_24 : memref<10240xf32, #tpu.memory_space<hbm>>)
      tpu.yield
    }) : () -> ()
    return
  }
}

#map = affine_map<(d0, d1) -> (0, 0)>
#map1 = affine_map<(d0, d1) -> (0, 0, 0)>
module attributes {stable_mosaic.version = 14 : i64} {
  func.func @ks(%arg0: i32, %arg1: i32, %arg2: memref<10240x40xf32, #tpu.memory_space<hbm>>, %arg3: memref<32x80x128xi32, #tpu.memory_space<hbm>>, %arg4: memref<32x80x128xi32, #tpu.memory_space<hbm>>, %arg5: memref<10240x40xf32, #tpu.memory_space<hbm>>, %arg6: memref<2x10240x40xf32, #tpu.memory_space<hbm>>, %arg7: memref<80x128xi32, #tpu.memory_space<vmem>>, %arg8: memref<80x128xi32, #tpu.memory_space<vmem>>, %arg9: memref<128x40xf32, #tpu.memory_space<vmem>>, %arg10: memref<128x40xf32, #tpu.memory_space<vmem>>, %arg11: memref<128x40xf32, #tpu.memory_space<vmem>>, %arg12: memref<128x40xf32, #tpu.memory_space<vmem>>, %arg13: memref<10240x40xf32, #tpu.memory_space<vmem_shared>>, %arg14: memref<!tpu.dma_semaphore, #tpu.memory_space<semaphore_mem>>, %arg15: memref<!tpu.dma_semaphore, #tpu.memory_space<semaphore_mem>>, %arg16: memref<!tpu.dma_semaphore, #tpu.memory_space<semaphore_mem>>, %arg17: memref<!tpu.dma_semaphore, #tpu.memory_space<semaphore_mem>>, %arg18: memref<!tpu.dma_semaphore, #tpu.memory_space<semaphore_mem>>, %arg19: memref<!tpu.dma_semaphore, #tpu.memory_space<semaphore_mem>>, %arg20: memref<!tpu.dma_semaphore, #tpu.memory_space<semaphore_mem>>, %arg21: memref<!tpu.dma_semaphore, #tpu.memory_space<semaphore_mem>>) attributes {dimension_semantics = [#tpu.dimension_semantics<core_parallel>, #tpu.dimension_semantics<subcore_parallel>], iteration_bounds = array<i64: 2, 16>, scalar_prefetch = 0 : i64, scratch_operands = 15 : i64, tpu.core_type = #tpu.core_type<sc_vector_subcore>, window_params = [{transform_indices = #map}, {transform_indices = #map1}, {transform_indices = #map1}, {transform_indices = #map}, {transform_indices = #map1}]} {
    %mul3A = arith.constant 2 : i32
    %mul3A_0 = arith.muli %arg1, %mul3A : i32
    %add3A = arith.addi %mul3A_0, %arg0 : i32
    %mul3A_1 = arith.constant 640 : i32
    %mul3A_2 = arith.muli %arg1, %mul3A_1 : i32
    %mul3A_3 = arith.constant 640 : i32
    %mul3A_4 = arith.muli %arg1, %mul3A_3 : i32
    "tpu.region"() ({
      %run_scoped3A = tpu.sem_alloc : memref<!tpu.dma_semaphore, #tpu.memory_space<semaphore_mem>>
      %dma_start3A_41 = arith.constant 0 : i32
      %dma_start3A_42 = tpu.memref_slice %arg13[%mul3A_4, %dma_start3A_41] : memref<10240x40xf32, #tpu.memory_space<vmem_shared>> -> memref<640x40xf32, #tpu.memory_space<vmem_shared>>
      %dma_start3A_43 = arith.constant 0 : i32
      %dma_start3A_44 = tpu.memref_slice %arg5[%mul3A_2, %dma_start3A_43] : memref<10240x40xf32, #tpu.memory_space<hbm>> -> memref<640x40xf32, #tpu.memory_space<hbm>>
      tpu.enqueue_dma source(%dma_start3A_44 : memref<640x40xf32, #tpu.memory_space<hbm>>) target(%dma_start3A_42 : memref<640x40xf32, #tpu.memory_space<vmem_shared>>) target_semaphore(%run_scoped3A : memref<!tpu.dma_semaphore, #tpu.memory_space<semaphore_mem>>)
      %dma_wait3A_45 = arith.constant 0 : i32
      %dma_wait3A_46 = tpu.memref_slice %arg13[%mul3A_4, %dma_wait3A_45] : memref<10240x40xf32, #tpu.memory_space<vmem_shared>> -> memref<640x40xf32, #tpu.memory_space<vmem_shared>>
      %dma_wait3A_47 = arith.constant 0 : i32
      %dma_wait3A_48 = tpu.memref_slice %arg5[%mul3A_2, %dma_wait3A_47] : memref<10240x40xf32, #tpu.memory_space<hbm>> -> memref<640x40xf32, #tpu.memory_space<hbm>>
      tpu.wait_dma2 semaphore(%run_scoped3A : memref<!tpu.dma_semaphore, #tpu.memory_space<semaphore_mem>>) src(%dma_wait3A_48 : memref<640x40xf32, #tpu.memory_space<hbm>>) dst(%dma_wait3A_46 : memref<640x40xf32, #tpu.memory_space<vmem_shared>>)
      tpu.yield
    }) : () -> ()
    "tpu.region"() ({
      %run_scoped3A = tpu.sem_alloc : memref<!tpu.dma_semaphore, #tpu.memory_space<semaphore_mem>>
      %dma_start3A_41 = arith.constant 0 : i32
      %dma_start3A_42 = arith.constant 0 : i32
      %dma_start3A_43 = tpu.memref_slice %arg3[%add3A, %dma_start3A_41, %dma_start3A_42] : memref<32x80x128xi32, #tpu.memory_space<hbm>> -> memref<1x80x128xi32, #tpu.memory_space<hbm>>
      %dma_start3A_44 = tpu.memref_squeeze %dma_start3A_43 : memref<1x80x128xi32, #tpu.memory_space<hbm>> -> memref<80x128xi32, #tpu.memory_space<hbm>>
      %dma_start3A_45 = arith.constant 0 : i32
      %dma_start3A_46 = arith.constant 0 : i32
      %dma_start3A_47 = tpu.memref_slice %arg3[%add3A, %dma_start3A_45, %dma_start3A_46] : memref<32x80x128xi32, #tpu.memory_space<hbm>> -> memref<1x80x128xi32, #tpu.memory_space<hbm>>
      %dma_start3A_48 = tpu.memref_squeeze %dma_start3A_47 : memref<1x80x128xi32, #tpu.memory_space<hbm>> -> memref<80x128xi32, #tpu.memory_space<hbm>>
      tpu.enqueue_dma source(%dma_start3A_48 : memref<80x128xi32, #tpu.memory_space<hbm>>) target(%arg7 : memref<80x128xi32, #tpu.memory_space<vmem>>) target_semaphore(%run_scoped3A : memref<!tpu.dma_semaphore, #tpu.memory_space<semaphore_mem>>)
      %dma_wait3A_49 = arith.constant 0 : i32
      %dma_wait3A_50 = arith.constant 0 : i32
      %dma_wait3A_51 = tpu.memref_slice %arg3[%add3A, %dma_wait3A_49, %dma_wait3A_50] : memref<32x80x128xi32, #tpu.memory_space<hbm>> -> memref<1x80x128xi32, #tpu.memory_space<hbm>>
      %dma_wait3A_52 = tpu.memref_squeeze %dma_wait3A_51 : memref<1x80x128xi32, #tpu.memory_space<hbm>> -> memref<80x128xi32, #tpu.memory_space<hbm>>
      %dma_wait3A_53 = arith.constant 0 : i32
      %dma_wait3A_54 = arith.constant 0 : i32
      %dma_wait3A_55 = tpu.memref_slice %arg3[%add3A, %dma_wait3A_53, %dma_wait3A_54] : memref<32x80x128xi32, #tpu.memory_space<hbm>> -> memref<1x80x128xi32, #tpu.memory_space<hbm>>
      %dma_wait3A_56 = tpu.memref_squeeze %dma_wait3A_55 : memref<1x80x128xi32, #tpu.memory_space<hbm>> -> memref<80x128xi32, #tpu.memory_space<hbm>>
      tpu.wait_dma2 semaphore(%run_scoped3A : memref<!tpu.dma_semaphore, #tpu.memory_space<semaphore_mem>>) src(%dma_wait3A_56 : memref<80x128xi32, #tpu.memory_space<hbm>>) dst(%arg7 : memref<80x128xi32, #tpu.memory_space<vmem>>)
      tpu.yield
    }) : () -> ()
    "tpu.region"() ({
      %run_scoped3A = tpu.sem_alloc : memref<!tpu.dma_semaphore, #tpu.memory_space<semaphore_mem>>
      %dma_start3A_41 = arith.constant 0 : i32
      %dma_start3A_42 = arith.constant 0 : i32
      %dma_start3A_43 = tpu.memref_slice %arg4[%add3A, %dma_start3A_41, %dma_start3A_42] : memref<32x80x128xi32, #tpu.memory_space<hbm>> -> memref<1x80x128xi32, #tpu.memory_space<hbm>>
      %dma_start3A_44 = tpu.memref_squeeze %dma_start3A_43 : memref<1x80x128xi32, #tpu.memory_space<hbm>> -> memref<80x128xi32, #tpu.memory_space<hbm>>
      %dma_start3A_45 = arith.constant 0 : i32
      %dma_start3A_46 = arith.constant 0 : i32
      %dma_start3A_47 = tpu.memref_slice %arg4[%add3A, %dma_start3A_45, %dma_start3A_46] : memref<32x80x128xi32, #tpu.memory_space<hbm>> -> memref<1x80x128xi32, #tpu.memory_space<hbm>>
      %dma_start3A_48 = tpu.memref_squeeze %dma_start3A_47 : memref<1x80x128xi32, #tpu.memory_space<hbm>> -> memref<80x128xi32, #tpu.memory_space<hbm>>
      tpu.enqueue_dma source(%dma_start3A_48 : memref<80x128xi32, #tpu.memory_space<hbm>>) target(%arg8 : memref<80x128xi32, #tpu.memory_space<vmem>>) target_semaphore(%run_scoped3A : memref<!tpu.dma_semaphore, #tpu.memory_space<semaphore_mem>>)
      %dma_wait3A_49 = arith.constant 0 : i32
      %dma_wait3A_50 = arith.constant 0 : i32
      %dma_wait3A_51 = tpu.memref_slice %arg4[%add3A, %dma_wait3A_49, %dma_wait3A_50] : memref<32x80x128xi32, #tpu.memory_space<hbm>> -> memref<1x80x128xi32, #tpu.memory_space<hbm>>
      %dma_wait3A_52 = tpu.memref_squeeze %dma_wait3A_51 : memref<1x80x128xi32, #tpu.memory_space<hbm>> -> memref<80x128xi32, #tpu.memory_space<hbm>>
      %dma_wait3A_53 = arith.constant 0 : i32
      %dma_wait3A_54 = arith.constant 0 : i32
      %dma_wait3A_55 = tpu.memref_slice %arg4[%add3A, %dma_wait3A_53, %dma_wait3A_54] : memref<32x80x128xi32, #tpu.memory_space<hbm>> -> memref<1x80x128xi32, #tpu.memory_space<hbm>>
      %dma_wait3A_56 = tpu.memref_squeeze %dma_wait3A_55 : memref<1x80x128xi32, #tpu.memory_space<hbm>> -> memref<80x128xi32, #tpu.memory_space<hbm>>
      tpu.wait_dma2 semaphore(%run_scoped3A : memref<!tpu.dma_semaphore, #tpu.memory_space<semaphore_mem>>) src(%dma_wait3A_56 : memref<80x128xi32, #tpu.memory_space<hbm>>) dst(%arg8 : memref<80x128xi32, #tpu.memory_space<vmem>>)
      tpu.yield
    }) : () -> ()
    %barrier3A = arith.constant 0 : index
    tpu.barrier barrier_id(%barrier3A)
    %dma_start3A = arith.constant 0 : i32
    %dma_start3A_5 = arith.constant 0 : i32
    %dma_start3A_6 = tpu.memref_slice %arg7[%dma_start3A, %dma_start3A_5] : memref<80x128xi32, #tpu.memory_space<vmem>> -> memref<1x128xi32, #tpu.memory_space<vmem>>
    %dma_start3A_7 = tpu.memref_squeeze %dma_start3A_6 : memref<1x128xi32, #tpu.memory_space<vmem>> -> memref<128xi32, #tpu.memory_space<vmem>>
    %dma_start3A_8 = arith.constant 0 : i32
    %dma_start3A_9 = arith.constant 0 : i32
    %dma_start3A_10 = tpu.memref_slice %arg2[%dma_start3A_8, %dma_start3A_9] : memref<10240x40xf32, #tpu.memory_space<hbm>> -> memref<10240x40xf32, #tpu.memory_space<hbm>>
    tpu.enqueue_indirect_dma source(%dma_start3A_10 : memref<10240x40xf32, #tpu.memory_space<hbm>>) target(%arg9 : memref<128x40xf32, #tpu.memory_space<vmem>>) offsets(%dma_start3A_7 : memref<128xi32, #tpu.memory_space<vmem>>) semaphore(%arg14 : memref<!tpu.dma_semaphore, #tpu.memory_space<semaphore_mem>>)
    %dma_start3A_11 = arith.constant 1 : i32
    %dma_start3A_12 = arith.constant 0 : i32
    %dma_start3A_13 = tpu.memref_slice %arg7[%dma_start3A_11, %dma_start3A_12] : memref<80x128xi32, #tpu.memory_space<vmem>> -> memref<1x128xi32, #tpu.memory_space<vmem>>
    %dma_start3A_14 = tpu.memref_squeeze %dma_start3A_13 : memref<1x128xi32, #tpu.memory_space<vmem>> -> memref<128xi32, #tpu.memory_space<vmem>>
    %dma_start3A_15 = arith.constant 0 : i32
    %dma_start3A_16 = arith.constant 0 : i32
    %dma_start3A_17 = tpu.memref_slice %arg2[%dma_start3A_15, %dma_start3A_16] : memref<10240x40xf32, #tpu.memory_space<hbm>> -> memref<10240x40xf32, #tpu.memory_space<hbm>>
    tpu.enqueue_indirect_dma source(%dma_start3A_17 : memref<10240x40xf32, #tpu.memory_space<hbm>>) target(%arg10 : memref<128x40xf32, #tpu.memory_space<vmem>>) offsets(%dma_start3A_14 : memref<128xi32, #tpu.memory_space<vmem>>) semaphore(%arg15 : memref<!tpu.dma_semaphore, #tpu.memory_space<semaphore_mem>>)
    %scan3A = arith.constant 0 : i32
    %scan3A_18 = arith.constant 0 : i32
    %scan3A_19 = arith.constant 20 : i32
    %scan3A_20 = arith.addi %scan3A_18, %scan3A_19 : i32
    %scan3A_21 = arith.constant 1 : i32
    scf.for %scan3A_41 = %scan3A_18 to %scan3A_20 step %scan3A_21  : i32 {
      %mul3A_42 = arith.constant 4 : i32
      %mul3A_43 = arith.muli %mul3A_42, %scan3A_41 : i32
      %add3A_44 = arith.constant 0 : i32
      %add3A_45 = arith.addi %mul3A_43, %add3A_44 : i32
      %dma_wait3A_46 = arith.constant 0 : i32
      %dma_wait3A_47 = tpu.memref_slice %arg7[%add3A_45, %dma_wait3A_46] : memref<80x128xi32, #tpu.memory_space<vmem>> -> memref<1x128xi32, #tpu.memory_space<vmem>>
      %dma_wait3A_48 = tpu.memref_squeeze %dma_wait3A_47 : memref<1x128xi32, #tpu.memory_space<vmem>> -> memref<128xi32, #tpu.memory_space<vmem>>
      %dma_wait3A_49 = arith.constant 0 : i32
      %dma_wait3A_50 = arith.constant 0 : i32
      %dma_wait3A_51 = tpu.memref_slice %arg2[%dma_wait3A_49, %dma_wait3A_50] : memref<10240x40xf32, #tpu.memory_space<hbm>> -> memref<10240x40xf32, #tpu.memory_space<hbm>>
      tpu.wait_indirect_dma semaphore(%arg14 : memref<!tpu.dma_semaphore, #tpu.memory_space<semaphore_mem>>) src(%dma_wait3A_51 : memref<10240x40xf32, #tpu.memory_space<hbm>>) dst(%arg9 : memref<128x40xf32, #tpu.memory_space<vmem>>)
      %dma_start3A_52 = arith.constant 0 : i32
      %dma_start3A_53 = tpu.memref_slice %arg8[%add3A_45, %dma_start3A_52] : memref<80x128xi32, #tpu.memory_space<vmem>> -> memref<1x128xi32, #tpu.memory_space<vmem>>
      %dma_start3A_54 = tpu.memref_squeeze %dma_start3A_53 : memref<1x128xi32, #tpu.memory_space<vmem>> -> memref<128xi32, #tpu.memory_space<vmem>>
      %dma_start3A_55 = arith.constant 0 : i32
      %dma_start3A_56 = arith.constant 0 : i32
      %dma_start3A_57 = tpu.memref_slice %arg13[%dma_start3A_55, %dma_start3A_56] : memref<10240x40xf32, #tpu.memory_space<vmem_shared>> -> memref<10240x40xf32, #tpu.memory_space<vmem_shared>>
      tpu.enqueue_indirect_dma source(%arg9 : memref<128x40xf32, #tpu.memory_space<vmem>>) target(%dma_start3A_57 : memref<10240x40xf32, #tpu.memory_space<vmem_shared>>) offsets(%dma_start3A_54 : memref<128xi32, #tpu.memory_space<vmem>>) semaphore(%arg18 : memref<!tpu.dma_semaphore, #tpu.memory_space<semaphore_mem>>) {add = true}
      %ge3A = arith.constant 2 : i32
      %ge3A_58 = arith.cmpi sge, %add3A_45, %ge3A : i32
      %convert_element_type3A = arith.extui %ge3A_58 : i1 to i32
      %cond3A = arith.constant 0 : i32
      %cond3A_59 = arith.cmpi ne, %convert_element_type3A, %cond3A : i32
      scf.if %cond3A_59 {
        %sub3A = arith.constant 2 : i32
        %sub3A_150 = arith.subi %add3A_45, %sub3A : i32
        %dma_wait3A_151 = arith.constant 0 : i32
        %dma_wait3A_152 = tpu.memref_slice %arg8[%sub3A_150, %dma_wait3A_151] : memref<80x128xi32, #tpu.memory_space<vmem>> -> memref<1x128xi32, #tpu.memory_space<vmem>>
        %dma_wait3A_153 = tpu.memref_squeeze %dma_wait3A_152 : memref<1x128xi32, #tpu.memory_space<vmem>> -> memref<128xi32, #tpu.memory_space<vmem>>
        %dma_wait3A_154 = arith.constant 0 : i32
        %dma_wait3A_155 = arith.constant 0 : i32
        %dma_wait3A_156 = tpu.memref_slice %arg13[%dma_wait3A_154, %dma_wait3A_155] : memref<10240x40xf32, #tpu.memory_space<vmem_shared>> -> memref<10240x40xf32, #tpu.memory_space<vmem_shared>>
        tpu.wait_indirect_dma semaphore(%arg20 : memref<!tpu.dma_semaphore, #tpu.memory_space<semaphore_mem>>) src(%arg11 : memref<128x40xf32, #tpu.memory_space<vmem>>) dst(%dma_wait3A_156 : memref<10240x40xf32, #tpu.memory_space<vmem_shared>>)
      } else {
      }
      %add3A_60 = arith.constant 2 : i32
      %add3A_61 = arith.addi %add3A_45, %add3A_60 : i32
      %lt3A = arith.constant 80 : i32
      %lt3A_62 = arith.cmpi slt, %add3A_61, %lt3A : i32
      %convert_element_type3A_63 = arith.extui %lt3A_62 : i1 to i32
      %cond3A_64 = arith.constant 0 : i32
      %cond3A_65 = arith.cmpi ne, %convert_element_type3A_63, %cond3A_64 : i32
      scf.if %cond3A_65 {
        %add3A_150 = arith.constant 2 : i32
        %add3A_151 = arith.addi %add3A_45, %add3A_150 : i32
        %dma_start3A_152 = arith.constant 0 : i32
        %dma_start3A_153 = tpu.memref_slice %arg7[%add3A_151, %dma_start3A_152] : memref<80x128xi32, #tpu.memory_space<vmem>> -> memref<1x128xi32, #tpu.memory_space<vmem>>
        %dma_start3A_154 = tpu.memref_squeeze %dma_start3A_153 : memref<1x128xi32, #tpu.memory_space<vmem>> -> memref<128xi32, #tpu.memory_space<vmem>>
        %dma_start3A_155 = arith.constant 0 : i32
        %dma_start3A_156 = arith.constant 0 : i32
        %dma_start3A_157 = tpu.memref_slice %arg2[%dma_start3A_155, %dma_start3A_156] : memref<10240x40xf32, #tpu.memory_space<hbm>> -> memref<10240x40xf32, #tpu.memory_space<hbm>>
        tpu.enqueue_indirect_dma source(%dma_start3A_157 : memref<10240x40xf32, #tpu.memory_space<hbm>>) target(%arg11 : memref<128x40xf32, #tpu.memory_space<vmem>>) offsets(%dma_start3A_154 : memref<128xi32, #tpu.memory_space<vmem>>) semaphore(%arg16 : memref<!tpu.dma_semaphore, #tpu.memory_space<semaphore_mem>>)
      } else {
      }
      %mul3A_66 = arith.constant 4 : i32
      %mul3A_67 = arith.muli %mul3A_66, %scan3A_41 : i32
      %add3A_68 = arith.constant 1 : i32
      %add3A_69 = arith.addi %mul3A_67, %add3A_68 : i32
      %dma_wait3A_70 = arith.constant 0 : i32
      %dma_wait3A_71 = tpu.memref_slice %arg7[%add3A_69, %dma_wait3A_70] : memref<80x128xi32, #tpu.memory_space<vmem>> -> memref<1x128xi32, #tpu.memory_space<vmem>>
      %dma_wait3A_72 = tpu.memref_squeeze %dma_wait3A_71 : memref<1x128xi32, #tpu.memory_space<vmem>> -> memref<128xi32, #tpu.memory_space<vmem>>
      %dma_wait3A_73 = arith.constant 0 : i32
      %dma_wait3A_74 = arith.constant 0 : i32
      %dma_wait3A_75 = tpu.memref_slice %arg2[%dma_wait3A_73, %dma_wait3A_74] : memref<10240x40xf32, #tpu.memory_space<hbm>> -> memref<10240x40xf32, #tpu.memory_space<hbm>>
      tpu.wait_indirect_dma semaphore(%arg15 : memref<!tpu.dma_semaphore, #tpu.memory_space<semaphore_mem>>) src(%dma_wait3A_75 : memref<10240x40xf32, #tpu.memory_space<hbm>>) dst(%arg10 : memref<128x40xf32, #tpu.memory_space<vmem>>)
      %dma_start3A_76 = arith.constant 0 : i32
      %dma_start3A_77 = tpu.memref_slice %arg8[%add3A_69, %dma_start3A_76] : memref<80x128xi32, #tpu.memory_space<vmem>> -> memref<1x128xi32, #tpu.memory_space<vmem>>
      %dma_start3A_78 = tpu.memref_squeeze %dma_start3A_77 : memref<1x128xi32, #tpu.memory_space<vmem>> -> memref<128xi32, #tpu.memory_space<vmem>>
      %dma_start3A_79 = arith.constant 0 : i32
      %dma_start3A_80 = arith.constant 0 : i32
      %dma_start3A_81 = tpu.memref_slice %arg13[%dma_start3A_79, %dma_start3A_80] : memref<10240x40xf32, #tpu.memory_space<vmem_shared>> -> memref<10240x40xf32, #tpu.memory_space<vmem_shared>>
      tpu.enqueue_indirect_dma source(%arg10 : memref<128x40xf32, #tpu.memory_space<vmem>>) target(%dma_start3A_81 : memref<10240x40xf32, #tpu.memory_space<vmem_shared>>) offsets(%dma_start3A_78 : memref<128xi32, #tpu.memory_space<vmem>>) semaphore(%arg19 : memref<!tpu.dma_semaphore, #tpu.memory_space<semaphore_mem>>) {add = true}
      %ge3A_82 = arith.constant 2 : i32
      %ge3A_83 = arith.cmpi sge, %add3A_69, %ge3A_82 : i32
      %convert_element_type3A_84 = arith.extui %ge3A_83 : i1 to i32
      %cond3A_85 = arith.constant 0 : i32
      %cond3A_86 = arith.cmpi ne, %convert_element_type3A_84, %cond3A_85 : i32
      scf.if %cond3A_86 {
        %sub3A = arith.constant 2 : i32
        %sub3A_150 = arith.subi %add3A_69, %sub3A : i32
        %dma_wait3A_151 = arith.constant 0 : i32
        %dma_wait3A_152 = tpu.memref_slice %arg8[%sub3A_150, %dma_wait3A_151] : memref<80x128xi32, #tpu.memory_space<vmem>> -> memref<1x128xi32, #tpu.memory_space<vmem>>
        %dma_wait3A_153 = tpu.memref_squeeze %dma_wait3A_152 : memref<1x128xi32, #tpu.memory_space<vmem>> -> memref<128xi32, #tpu.memory_space<vmem>>
        %dma_wait3A_154 = arith.constant 0 : i32
        %dma_wait3A_155 = arith.constant 0 : i32
        %dma_wait3A_156 = tpu.memref_slice %arg13[%dma_wait3A_154, %dma_wait3A_155] : memref<10240x40xf32, #tpu.memory_space<vmem_shared>> -> memref<10240x40xf32, #tpu.memory_space<vmem_shared>>
        tpu.wait_indirect_dma semaphore(%arg21 : memref<!tpu.dma_semaphore, #tpu.memory_space<semaphore_mem>>) src(%arg12 : memref<128x40xf32, #tpu.memory_space<vmem>>) dst(%dma_wait3A_156 : memref<10240x40xf32, #tpu.memory_space<vmem_shared>>)
      } else {
      }
      %add3A_87 = arith.constant 2 : i32
      %add3A_88 = arith.addi %add3A_69, %add3A_87 : i32
      %lt3A_89 = arith.constant 80 : i32
      %lt3A_90 = arith.cmpi slt, %add3A_88, %lt3A_89 : i32
      %convert_element_type3A_91 = arith.extui %lt3A_90 : i1 to i32
      %cond3A_92 = arith.constant 0 : i32
      %cond3A_93 = arith.cmpi ne, %convert_element_type3A_91, %cond3A_92 : i32
      scf.if %cond3A_93 {
        %add3A_150 = arith.constant 2 : i32
        %add3A_151 = arith.addi %add3A_69, %add3A_150 : i32
        %dma_start3A_152 = arith.constant 0 : i32
        %dma_start3A_153 = tpu.memref_slice %arg7[%add3A_151, %dma_start3A_152] : memref<80x128xi32, #tpu.memory_space<vmem>> -> memref<1x128xi32, #tpu.memory_space<vmem>>
        %dma_start3A_154 = tpu.memref_squeeze %dma_start3A_153 : memref<1x128xi32, #tpu.memory_space<vmem>> -> memref<128xi32, #tpu.memory_space<vmem>>
        %dma_start3A_155 = arith.constant 0 : i32
        %dma_start3A_156 = arith.constant 0 : i32
        %dma_start3A_157 = tpu.memref_slice %arg2[%dma_start3A_155, %dma_start3A_156] : memref<10240x40xf32, #tpu.memory_space<hbm>> -> memref<10240x40xf32, #tpu.memory_space<hbm>>
        tpu.enqueue_indirect_dma source(%dma_start3A_157 : memref<10240x40xf32, #tpu.memory_space<hbm>>) target(%arg12 : memref<128x40xf32, #tpu.memory_space<vmem>>) offsets(%dma_start3A_154 : memref<128xi32, #tpu.memory_space<vmem>>) semaphore(%arg17 : memref<!tpu.dma_semaphore, #tpu.memory_space<semaphore_mem>>)
      } else {
      }
      %mul3A_94 = arith.constant 4 : i32
      %mul3A_95 = arith.muli %mul3A_94, %scan3A_41 : i32
      %add3A_96 = arith.constant 2 : i32
      %add3A_97 = arith.addi %mul3A_95, %add3A_96 : i32
      %dma_wait3A_98 = arith.constant 0 : i32
      %dma_wait3A_99 = tpu.memref_slice %arg7[%add3A_97, %dma_wait3A_98] : memref<80x128xi32, #tpu.memory_space<vmem>> -> memref<1x128xi32, #tpu.memory_space<vmem>>
      %dma_wait3A_100 = tpu.memref_squeeze %dma_wait3A_99 : memref<1x128xi32, #tpu.memory_space<vmem>> -> memref<128xi32, #tpu.memory_space<vmem>>
      %dma_wait3A_101 = arith.constant 0 : i32
      %dma_wait3A_102 = arith.constant 0 : i32
      %dma_wait3A_103 = tpu.memref_slice %arg2[%dma_wait3A_101, %dma_wait3A_102] : memref<10240x40xf32, #tpu.memory_space<hbm>> -> memref<10240x40xf32, #tpu.memory_space<hbm>>
      tpu.wait_indirect_dma semaphore(%arg16 : memref<!tpu.dma_semaphore, #tpu.memory_space<semaphore_mem>>) src(%dma_wait3A_103 : memref<10240x40xf32, #tpu.memory_space<hbm>>) dst(%arg11 : memref<128x40xf32, #tpu.memory_space<vmem>>)
      %dma_start3A_104 = arith.constant 0 : i32
      %dma_start3A_105 = tpu.memref_slice %arg8[%add3A_97, %dma_start3A_104] : memref<80x128xi32, #tpu.memory_space<vmem>> -> memref<1x128xi32, #tpu.memory_space<vmem>>
      %dma_start3A_106 = tpu.memref_squeeze %dma_start3A_105 : memref<1x128xi32, #tpu.memory_space<vmem>> -> memref<128xi32, #tpu.memory_space<vmem>>
      %dma_start3A_107 = arith.constant 0 : i32
      %dma_start3A_108 = arith.constant 0 : i32
      %dma_start3A_109 = tpu.memref_slice %arg13[%dma_start3A_107, %dma_start3A_108] : memref<10240x40xf32, #tpu.memory_space<vmem_shared>> -> memref<10240x40xf32, #tpu.memory_space<vmem_shared>>
      tpu.enqueue_indirect_dma source(%arg11 : memref<128x40xf32, #tpu.memory_space<vmem>>) target(%dma_start3A_109 : memref<10240x40xf32, #tpu.memory_space<vmem_shared>>) offsets(%dma_start3A_106 : memref<128xi32, #tpu.memory_space<vmem>>) semaphore(%arg20 : memref<!tpu.dma_semaphore, #tpu.memory_space<semaphore_mem>>) {add = true}
      %ge3A_110 = arith.constant 2 : i32
      %ge3A_111 = arith.cmpi sge, %add3A_97, %ge3A_110 : i32
      %convert_element_type3A_112 = arith.extui %ge3A_111 : i1 to i32
      %cond3A_113 = arith.constant 0 : i32
      %cond3A_114 = arith.cmpi ne, %convert_element_type3A_112, %cond3A_113 : i32
      scf.if %cond3A_114 {
        %sub3A = arith.constant 2 : i32
        %sub3A_150 = arith.subi %add3A_97, %sub3A : i32
        %dma_wait3A_151 = arith.constant 0 : i32
        %dma_wait3A_152 = tpu.memref_slice %arg8[%sub3A_150, %dma_wait3A_151] : memref<80x128xi32, #tpu.memory_space<vmem>> -> memref<1x128xi32, #tpu.memory_space<vmem>>
        %dma_wait3A_153 = tpu.memref_squeeze %dma_wait3A_152 : memref<1x128xi32, #tpu.memory_space<vmem>> -> memref<128xi32, #tpu.memory_space<vmem>>
        %dma_wait3A_154 = arith.constant 0 : i32
        %dma_wait3A_155 = arith.constant 0 : i32
        %dma_wait3A_156 = tpu.memref_slice %arg13[%dma_wait3A_154, %dma_wait3A_155] : memref<10240x40xf32, #tpu.memory_space<vmem_shared>> -> memref<10240x40xf32, #tpu.memory_space<vmem_shared>>
        tpu.wait_indirect_dma semaphore(%arg18 : memref<!tpu.dma_semaphore, #tpu.memory_space<semaphore_mem>>) src(%arg9 : memref<128x40xf32, #tpu.memory_space<vmem>>) dst(%dma_wait3A_156 : memref<10240x40xf32, #tpu.memory_space<vmem_shared>>)
      } else {
      }
      %add3A_115 = arith.constant 2 : i32
      %add3A_116 = arith.addi %add3A_97, %add3A_115 : i32
      %lt3A_117 = arith.constant 80 : i32
      %lt3A_118 = arith.cmpi slt, %add3A_116, %lt3A_117 : i32
      %convert_element_type3A_119 = arith.extui %lt3A_118 : i1 to i32
      %cond3A_120 = arith.constant 0 : i32
      %cond3A_121 = arith.cmpi ne, %convert_element_type3A_119, %cond3A_120 : i32
      scf.if %cond3A_121 {
        %add3A_150 = arith.constant 2 : i32
        %add3A_151 = arith.addi %add3A_97, %add3A_150 : i32
        %dma_start3A_152 = arith.constant 0 : i32
        %dma_start3A_153 = tpu.memref_slice %arg7[%add3A_151, %dma_start3A_152] : memref<80x128xi32, #tpu.memory_space<vmem>> -> memref<1x128xi32, #tpu.memory_space<vmem>>
        %dma_start3A_154 = tpu.memref_squeeze %dma_start3A_153 : memref<1x128xi32, #tpu.memory_space<vmem>> -> memref<128xi32, #tpu.memory_space<vmem>>
        %dma_start3A_155 = arith.constant 0 : i32
        %dma_start3A_156 = arith.constant 0 : i32
        %dma_start3A_157 = tpu.memref_slice %arg2[%dma_start3A_155, %dma_start3A_156] : memref<10240x40xf32, #tpu.memory_space<hbm>> -> memref<10240x40xf32, #tpu.memory_space<hbm>>
        tpu.enqueue_indirect_dma source(%dma_start3A_157 : memref<10240x40xf32, #tpu.memory_space<hbm>>) target(%arg9 : memref<128x40xf32, #tpu.memory_space<vmem>>) offsets(%dma_start3A_154 : memref<128xi32, #tpu.memory_space<vmem>>) semaphore(%arg14 : memref<!tpu.dma_semaphore, #tpu.memory_space<semaphore_mem>>)
      } else {
      }
      %mul3A_122 = arith.constant 4 : i32
      %mul3A_123 = arith.muli %mul3A_122, %scan3A_41 : i32
      %add3A_124 = arith.constant 3 : i32
      %add3A_125 = arith.addi %mul3A_123, %add3A_124 : i32
      %dma_wait3A_126 = arith.constant 0 : i32
      %dma_wait3A_127 = tpu.memref_slice %arg7[%add3A_125, %dma_wait3A_126] : memref<80x128xi32, #tpu.memory_space<vmem>> -> memref<1x128xi32, #tpu.memory_space<vmem>>
      %dma_wait3A_128 = tpu.memref_squeeze %dma_wait3A_127 : memref<1x128xi32, #tpu.memory_space<vmem>> -> memref<128xi32, #tpu.memory_space<vmem>>
      %dma_wait3A_129 = arith.constant 0 : i32
      %dma_wait3A_130 = arith.constant 0 : i32
      %dma_wait3A_131 = tpu.memref_slice %arg2[%dma_wait3A_129, %dma_wait3A_130] : memref<10240x40xf32, #tpu.memory_space<hbm>> -> memref<10240x40xf32, #tpu.memory_space<hbm>>
      tpu.wait_indirect_dma semaphore(%arg17 : memref<!tpu.dma_semaphore, #tpu.memory_space<semaphore_mem>>) src(%dma_wait3A_131 : memref<10240x40xf32, #tpu.memory_space<hbm>>) dst(%arg12 : memref<128x40xf32, #tpu.memory_space<vmem>>)
      %dma_start3A_132 = arith.constant 0 : i32
      %dma_start3A_133 = tpu.memref_slice %arg8[%add3A_125, %dma_start3A_132] : memref<80x128xi32, #tpu.memory_space<vmem>> -> memref<1x128xi32, #tpu.memory_space<vmem>>
      %dma_start3A_134 = tpu.memref_squeeze %dma_start3A_133 : memref<1x128xi32, #tpu.memory_space<vmem>> -> memref<128xi32, #tpu.memory_space<vmem>>
      %dma_start3A_135 = arith.constant 0 : i32
      %dma_start3A_136 = arith.constant 0 : i32
      %dma_start3A_137 = tpu.memref_slice %arg13[%dma_start3A_135, %dma_start3A_136] : memref<10240x40xf32, #tpu.memory_space<vmem_shared>> -> memref<10240x40xf32, #tpu.memory_space<vmem_shared>>
      tpu.enqueue_indirect_dma source(%arg12 : memref<128x40xf32, #tpu.memory_space<vmem>>) target(%dma_start3A_137 : memref<10240x40xf32, #tpu.memory_space<vmem_shared>>) offsets(%dma_start3A_134 : memref<128xi32, #tpu.memory_space<vmem>>) semaphore(%arg21 : memref<!tpu.dma_semaphore, #tpu.memory_space<semaphore_mem>>) {add = true}
      %ge3A_138 = arith.constant 2 : i32
      %ge3A_139 = arith.cmpi sge, %add3A_125, %ge3A_138 : i32
      %convert_element_type3A_140 = arith.extui %ge3A_139 : i1 to i32
      %cond3A_141 = arith.constant 0 : i32
      %cond3A_142 = arith.cmpi ne, %convert_element_type3A_140, %cond3A_141 : i32
      scf.if %cond3A_142 {
        %sub3A = arith.constant 2 : i32
        %sub3A_150 = arith.subi %add3A_125, %sub3A : i32
        %dma_wait3A_151 = arith.constant 0 : i32
        %dma_wait3A_152 = tpu.memref_slice %arg8[%sub3A_150, %dma_wait3A_151] : memref<80x128xi32, #tpu.memory_space<vmem>> -> memref<1x128xi32, #tpu.memory_space<vmem>>
        %dma_wait3A_153 = tpu.memref_squeeze %dma_wait3A_152 : memref<1x128xi32, #tpu.memory_space<vmem>> -> memref<128xi32, #tpu.memory_space<vmem>>
        %dma_wait3A_154 = arith.constant 0 : i32
        %dma_wait3A_155 = arith.constant 0 : i32
        %dma_wait3A_156 = tpu.memref_slice %arg13[%dma_wait3A_154, %dma_wait3A_155] : memref<10240x40xf32, #tpu.memory_space<vmem_shared>> -> memref<10240x40xf32, #tpu.memory_space<vmem_shared>>
        tpu.wait_indirect_dma semaphore(%arg19 : memref<!tpu.dma_semaphore, #tpu.memory_space<semaphore_mem>>) src(%arg10 : memref<128x40xf32, #tpu.memory_space<vmem>>) dst(%dma_wait3A_156 : memref<10240x40xf32, #tpu.memory_space<vmem_shared>>)
      } else {
      }
      %add3A_143 = arith.constant 2 : i32
      %add3A_144 = arith.addi %add3A_125, %add3A_143 : i32
      %lt3A_145 = arith.constant 80 : i32
      %lt3A_146 = arith.cmpi slt, %add3A_144, %lt3A_145 : i32
      %convert_element_type3A_147 = arith.extui %lt3A_146 : i1 to i32
      %cond3A_148 = arith.constant 0 : i32
      %cond3A_149 = arith.cmpi ne, %convert_element_type3A_147, %cond3A_148 : i32
      scf.if %cond3A_149 {
        %add3A_150 = arith.constant 2 : i32
        %add3A_151 = arith.addi %add3A_125, %add3A_150 : i32
        %dma_start3A_152 = arith.constant 0 : i32
        %dma_start3A_153 = tpu.memref_slice %arg7[%add3A_151, %dma_start3A_152] : memref<80x128xi32, #tpu.memory_space<vmem>> -> memref<1x128xi32, #tpu.memory_space<vmem>>
        %dma_start3A_154 = tpu.memref_squeeze %dma_start3A_153 : memref<1x128xi32, #tpu.memory_space<vmem>> -> memref<128xi32, #tpu.memory_space<vmem>>
        %dma_start3A_155 = arith.constant 0 : i32
        %dma_start3A_156 = arith.constant 0 : i32
        %dma_start3A_157 = tpu.memref_slice %arg2[%dma_start3A_155, %dma_start3A_156] : memref<10240x40xf32, #tpu.memory_space<hbm>> -> memref<10240x40xf32, #tpu.memory_space<hbm>>
        tpu.enqueue_indirect_dma source(%dma_start3A_157 : memref<10240x40xf32, #tpu.memory_space<hbm>>) target(%arg10 : memref<128x40xf32, #tpu.memory_space<vmem>>) offsets(%dma_start3A_154 : memref<128xi32, #tpu.memory_space<vmem>>) semaphore(%arg15 : memref<!tpu.dma_semaphore, #tpu.memory_space<semaphore_mem>>)
      } else {
      }
    }
    %scan3A_22 = arith.constant 20 : i32
    %dma_wait3A = arith.constant 78 : i32
    %dma_wait3A_23 = arith.constant 0 : i32
    %dma_wait3A_24 = tpu.memref_slice %arg8[%dma_wait3A, %dma_wait3A_23] : memref<80x128xi32, #tpu.memory_space<vmem>> -> memref<1x128xi32, #tpu.memory_space<vmem>>
    %dma_wait3A_25 = tpu.memref_squeeze %dma_wait3A_24 : memref<1x128xi32, #tpu.memory_space<vmem>> -> memref<128xi32, #tpu.memory_space<vmem>>
    %dma_wait3A_26 = arith.constant 0 : i32
    %dma_wait3A_27 = arith.constant 0 : i32
    %dma_wait3A_28 = tpu.memref_slice %arg13[%dma_wait3A_26, %dma_wait3A_27] : memref<10240x40xf32, #tpu.memory_space<vmem_shared>> -> memref<10240x40xf32, #tpu.memory_space<vmem_shared>>
    tpu.wait_indirect_dma semaphore(%arg20 : memref<!tpu.dma_semaphore, #tpu.memory_space<semaphore_mem>>) src(%arg11 : memref<128x40xf32, #tpu.memory_space<vmem>>) dst(%dma_wait3A_28 : memref<10240x40xf32, #tpu.memory_space<vmem_shared>>)
    %dma_wait3A_29 = arith.constant 79 : i32
    %dma_wait3A_30 = arith.constant 0 : i32
    %dma_wait3A_31 = tpu.memref_slice %arg8[%dma_wait3A_29, %dma_wait3A_30] : memref<80x128xi32, #tpu.memory_space<vmem>> -> memref<1x128xi32, #tpu.memory_space<vmem>>
    %dma_wait3A_32 = tpu.memref_squeeze %dma_wait3A_31 : memref<1x128xi32, #tpu.memory_space<vmem>> -> memref<128xi32, #tpu.memory_space<vmem>>
    %dma_wait3A_33 = arith.constant 0 : i32
    %dma_wait3A_34 = arith.constant 0 : i32
    %dma_wait3A_35 = tpu.memref_slice %arg13[%dma_wait3A_33, %dma_wait3A_34] : memref<10240x40xf32, #tpu.memory_space<vmem_shared>> -> memref<10240x40xf32, #tpu.memory_space<vmem_shared>>
    tpu.wait_indirect_dma semaphore(%arg21 : memref<!tpu.dma_semaphore, #tpu.memory_space<semaphore_mem>>) src(%arg12 : memref<128x40xf32, #tpu.memory_space<vmem>>) dst(%dma_wait3A_35 : memref<10240x40xf32, #tpu.memory_space<vmem_shared>>)
    %barrier3A_36 = arith.constant 0 : index
    tpu.barrier barrier_id(%barrier3A_36)
    %mul3A_37 = arith.constant 640 : i32
    %mul3A_38 = arith.muli %arg1, %mul3A_37 : i32
    %mul3A_39 = arith.constant 640 : i32
    %mul3A_40 = arith.muli %arg1, %mul3A_39 : i32
    "tpu.region"() ({
      %run_scoped3A = tpu.sem_alloc : memref<!tpu.dma_semaphore, #tpu.memory_space<semaphore_mem>>
      %dma_start3A_41 = arith.constant 0 : i32
      %dma_start3A_42 = tpu.memref_slice %arg6[%arg0, %mul3A_40, %dma_start3A_41] : memref<2x10240x40xf32, #tpu.memory_space<hbm>> -> memref<1x640x40xf32, #tpu.memory_space<hbm>>
      %dma_start3A_43 = tpu.memref_squeeze %dma_start3A_42 : memref<1x640x40xf32, #tpu.memory_space<hbm>> -> memref<640x40xf32, #tpu.memory_space<hbm>>
      %dma_start3A_44 = arith.constant 0 : i32
      %dma_start3A_45 = tpu.memref_slice %arg13[%mul3A_38, %dma_start3A_44] : memref<10240x40xf32, #tpu.memory_space<vmem_shared>> -> memref<640x40xf32, #tpu.memory_space<vmem_shared>>
      tpu.enqueue_dma source(%dma_start3A_45 : memref<640x40xf32, #tpu.memory_space<vmem_shared>>) target(%dma_start3A_43 : memref<640x40xf32, #tpu.memory_space<hbm>>) target_semaphore(%run_scoped3A : memref<!tpu.dma_semaphore, #tpu.memory_space<semaphore_mem>>)
      %dma_wait3A_46 = arith.constant 0 : i32
      %dma_wait3A_47 = tpu.memref_slice %arg6[%arg0, %mul3A_40, %dma_wait3A_46] : memref<2x10240x40xf32, #tpu.memory_space<hbm>> -> memref<1x640x40xf32, #tpu.memory_space<hbm>>
      %dma_wait3A_48 = tpu.memref_squeeze %dma_wait3A_47 : memref<1x640x40xf32, #tpu.memory_space<hbm>> -> memref<640x40xf32, #tpu.memory_space<hbm>>
      %dma_wait3A_49 = arith.constant 0 : i32
      %dma_wait3A_50 = tpu.memref_slice %arg13[%mul3A_38, %dma_wait3A_49] : memref<10240x40xf32, #tpu.memory_space<vmem_shared>> -> memref<640x40xf32, #tpu.memory_space<vmem_shared>>
      tpu.wait_dma2 semaphore(%run_scoped3A : memref<!tpu.dma_semaphore, #tpu.memory_space<semaphore_mem>>) src(%dma_wait3A_50 : memref<640x40xf32, #tpu.memory_space<vmem_shared>>) dst(%dma_wait3A_48 : memref<640x40xf32, #tpu.memory_space<hbm>>)
      tpu.yield
    }) : () -> ()
    return
  }
}

module attributes {stable_mosaic.version = 14 : i64} {
  func.func @body(%arg0: memref<32x10240xf32, #tpu.memory_space<vmem>>, %arg1: memref<1x10240xf32, #tpu.memory_space<vmem>>) attributes {dimension_semantics = [], scalar_prefetch = 0 : i64, scratch_operands = 0 : i64, tpu.core_type = #tpu.core_type<tc>} {
    %get3A = arith.constant 0 : index
    %get3A_0 = arith.constant 0 : index
    %get3A_1 = vector.load %arg0[%get3A, %get3A_0] : memref<32x10240xf32, #tpu.memory_space<vmem>>, vector<32x10240xf32>
    %reduce_sum3A = arith.constant dense<0.000000e+00> : vector<10240xf32>
    %reduce_sum3A_2 = vector.multi_reduction <add>, %get3A_1, %reduce_sum3A [0] : vector<32x10240xf32> to vector<10240xf32>
    %broadcast_in_dim3A = vector.shape_cast %reduce_sum3A_2 : vector<10240xf32> to vector<1x10240xf32>
    %add3A = arith.constant 1.000000e+00 : f32
    %add3A_3 = vector.broadcast %add3A : f32 to vector<1x10240xf32>
    %add3A_4 = arith.addf %broadcast_in_dim3A, %add3A_3 : vector<1x10240xf32>
    %rsqrt3A = math.rsqrt %add3A_4 : vector<1x10240xf32>
    %swap3A = arith.constant 0 : index
    %swap3A_5 = arith.constant 0 : index
    %swap3A_6 = vector.load %arg1[%swap3A, %swap3A_5] : memref<1x10240xf32, #tpu.memory_space<vmem>>, vector<1x10240xf32>
    tpu.vector_store %arg1[%swap3A, %swap3A_5], %rsqrt3A {strides = array<i32>} : memref<1x10240xf32, #tpu.memory_space<vmem>>, vector<1x10240xf32>,
    return
  }
}

module attributes {stable_mosaic.version = 14 : i64} {
  func.func @body(%arg0: memref<10240x128xf32, #tpu.memory_space<vmem>>, %arg1: memref<128x16xf32, #tpu.memory_space<vmem>>, %arg2: memref<10240x1xf32, #tpu.memory_space<vmem>>, %arg3: memref<10240x16xf32, #tpu.memory_space<vmem>>) attributes {dimension_semantics = [], scalar_prefetch = 0 : i64, scratch_operands = 0 : i64, tpu.core_type = #tpu.core_type<tc>} {
    %get3A = arith.constant 0 : index
    %get3A_0 = arith.constant 0 : index
    %get3A_1 = vector.load %arg0[%get3A, %get3A_0] : memref<10240x128xf32, #tpu.memory_space<vmem>>, vector<10240x128xf32>
    %get3A_2 = arith.constant 0 : index
    %get3A_3 = arith.constant 0 : index
    %get3A_4 = vector.load %arg1[%get3A_2, %get3A_3] : memref<128x16xf32, #tpu.memory_space<vmem>>, vector<128x16xf32>
    %dot_general3A = arith.constant dense<0.000000e+00> : vector<10240x16xf32>
    %dot_general3A_5 = tpu.matmul %get3A_1, %get3A_4, %dot_general3A {dimension_numbers = #tpu.dot_dimension_numbers<[1], [0], [0], [1], [0, 0, 1, 1], [], []>, transpose_lhs_hint = false} : vector<10240x128xf32>, vector<128x16xf32>, vector<10240x16xf32> -> vector<10240x16xf32>
    %get3A_6 = arith.constant 0 : index
    %get3A_7 = arith.constant 0 : index
    %get3A_8 = vector.load %arg2[%get3A_6, %get3A_7] : memref<10240x1xf32, #tpu.memory_space<vmem>>, vector<10240x1xf32>
    %mul3A = vector.broadcast %get3A_8 : vector<10240x1xf32> to vector<10240x16xf32>
    %mul3A_9 = arith.mulf %dot_general3A_5, %mul3A : vector<10240x16xf32>
    %swap3A = arith.constant 0 : index
    %swap3A_10 = arith.constant 0 : index
    %swap3A_11 = vector.load %arg3[%swap3A, %swap3A_10] : memref<10240x16xf32, #tpu.memory_space<vmem>>, vector<10240x16xf32>
    tpu.vector_store %arg3[%swap3A, %swap3A_10], %mul3A_9 {strides = array<i32>} : memref<10240x16xf32, #tpu.memory_space<vmem>>, vector<10240x16xf32>,
    return
  }
}

module attributes {stable_mosaic.version = 14 : i64} {
  func.func @body(%arg0: memref<2x10240x16xf32, #tpu.memory_space<vmem>>, %arg1: memref<10240x16xf32, #tpu.memory_space<vmem>>, %arg2: memref<10240x1xf32, #tpu.memory_space<vmem>>, %arg3: memref<1x16xf32, #tpu.memory_space<vmem>>, %arg4: memref<16x40xf32, #tpu.memory_space<vmem>>, %arg5: memref<10240x40xf32, #tpu.memory_space<vmem>>) attributes {dimension_semantics = [], scalar_prefetch = 0 : i64, scratch_operands = 0 : i64, tpu.core_type = #tpu.core_type<tc>} {
    %get3A = arith.constant 0 : index
    %get3A_0 = arith.constant 0 : index
    %get3A_1 = arith.constant 0 : index
    %get3A_2 = vector.load %arg0[%get3A, %get3A_0, %get3A_1] : memref<2x10240x16xf32, #tpu.memory_space<vmem>>, vector<1x10240x16xf32>
    %get3A_3 = vector.shape_cast %get3A_2 : vector<1x10240x16xf32> to vector<10240x16xf32>
    %get3A_4 = arith.constant 1 : index
    %get3A_5 = arith.constant 0 : index
    %get3A_6 = arith.constant 0 : index
    %get3A_7 = vector.load %arg0[%get3A_4, %get3A_5, %get3A_6] : memref<2x10240x16xf32, #tpu.memory_space<vmem>>, vector<1x10240x16xf32>
    %get3A_8 = vector.shape_cast %get3A_7 : vector<1x10240x16xf32> to vector<10240x16xf32>
    %add3A = arith.addf %get3A_3, %get3A_8 : vector<10240x16xf32>
    %get3A_9 = arith.constant 0 : index
    %get3A_10 = arith.constant 0 : index
    %get3A_11 = vector.load %arg1[%get3A_9, %get3A_10] : memref<10240x16xf32, #tpu.memory_space<vmem>>, vector<10240x16xf32>
    %add3A_12 = arith.addf %add3A, %get3A_11 : vector<10240x16xf32>
    %get3A_13 = arith.constant 0 : index
    %get3A_14 = arith.constant 0 : index
    %get3A_15 = vector.load %arg2[%get3A_13, %get3A_14] : memref<10240x1xf32, #tpu.memory_space<vmem>>, vector<10240x1xf32>
    %mul3A = vector.broadcast %get3A_15 : vector<10240x1xf32> to vector<10240x16xf32>
    %mul3A_16 = arith.mulf %add3A_12, %mul3A : vector<10240x16xf32>
    %get3A_17 = arith.constant 0 : index
    %get3A_18 = arith.constant 0 : index
    %get3A_19 = vector.load %arg3[%get3A_17, %get3A_18] : memref<1x16xf32, #tpu.memory_space<vmem>>, vector<1x16xf32>
    %add3A_20 = vector.broadcast %get3A_19 : vector<1x16xf32> to vector<10240x16xf32>
    %add3A_21 = arith.addf %mul3A_16, %add3A_20 : vector<10240x16xf32>
    %max3A = arith.constant 0.000000e+00 : f32
    %max3A_22 = vector.broadcast %max3A : f32 to vector<10240x16xf32>
    %max3A_23 = arith.maximumf %add3A_21, %max3A_22 : vector<10240x16xf32>
    %get3A_24 = arith.constant 0 : index
    %get3A_25 = arith.constant 0 : index
    %get3A_26 = vector.load %arg4[%get3A_24, %get3A_25] : memref<16x40xf32, #tpu.memory_space<vmem>>, vector<16x40xf32>
    %dot_general3A = arith.constant dense<0.000000e+00> : vector<10240x40xf32>
    %dot_general3A_27 = tpu.matmul %max3A_23, %get3A_26, %dot_general3A {dimension_numbers = #tpu.dot_dimension_numbers<[1], [0], [0], [1], [0, 0, 1, 1], [], []>, transpose_lhs_hint = false} : vector<10240x16xf32>, vector<16x40xf32>, vector<10240x40xf32> -> vector<10240x40xf32>
    %get3A_28 = arith.constant 0 : index
    %get3A_29 = arith.constant 0 : index
    %get3A_30 = vector.load %arg2[%get3A_28, %get3A_29] : memref<10240x1xf32, #tpu.memory_space<vmem>>, vector<10240x1xf32>
    %mul3A_31 = vector.broadcast %get3A_30 : vector<10240x1xf32> to vector<10240x40xf32>
    %mul3A_32 = arith.mulf %dot_general3A_27, %mul3A_31 : vector<10240x40xf32>
    %swap3A = arith.constant 0 : index
    %swap3A_33 = arith.constant 0 : index
    %swap3A_34 = vector.load %arg5[%swap3A, %swap3A_33] : memref<10240x40xf32, #tpu.memory_space<vmem>>, vector<10240x40xf32>
    tpu.vector_store %arg5[%swap3A, %swap3A_33], %mul3A_32 {strides = array<i32>} : memref<10240x40xf32, #tpu.memory_space<vmem>>, vector<10240x40xf32>,
    return
  }
}

module attributes {stable_mosaic.version = 14 : i64} {
  func.func @body(%arg0: memref<2x10240x40xf32, #tpu.memory_space<vmem>>, %arg1: memref<10240x40xf32, #tpu.memory_space<vmem>>, %arg2: memref<10240x1xf32, #tpu.memory_space<vmem>>, %arg3: memref<1x40xf32, #tpu.memory_space<vmem>>, %arg4: memref<10240x40xf32, #tpu.memory_space<vmem>>) attributes {dimension_semantics = [], scalar_prefetch = 0 : i64, scratch_operands = 0 : i64, tpu.core_type = #tpu.core_type<tc>} {
    %get3A = arith.constant 0 : index
    %get3A_0 = arith.constant 0 : index
    %get3A_1 = arith.constant 0 : index
    %get3A_2 = vector.load %arg0[%get3A, %get3A_0, %get3A_1] : memref<2x10240x40xf32, #tpu.memory_space<vmem>>, vector<1x10240x40xf32>
    %get3A_3 = vector.shape_cast %get3A_2 : vector<1x10240x40xf32> to vector<10240x40xf32>
    %get3A_4 = arith.constant 1 : index
    %get3A_5 = arith.constant 0 : index
    %get3A_6 = arith.constant 0 : index
    %get3A_7 = vector.load %arg0[%get3A_4, %get3A_5, %get3A_6] : memref<2x10240x40xf32, #tpu.memory_space<vmem>>, vector<1x10240x40xf32>
    %get3A_8 = vector.shape_cast %get3A_7 : vector<1x10240x40xf32> to vector<10240x40xf32>
    %add3A = arith.addf %get3A_3, %get3A_8 : vector<10240x40xf32>
    %get3A_9 = arith.constant 0 : index
    %get3A_10 = arith.constant 0 : index
    %get3A_11 = vector.load %arg1[%get3A_9, %get3A_10] : memref<10240x40xf32, #tpu.memory_space<vmem>>, vector<10240x40xf32>
    %add3A_12 = arith.addf %add3A, %get3A_11 : vector<10240x40xf32>
    %get3A_13 = arith.constant 0 : index
    %get3A_14 = arith.constant 0 : index
    %get3A_15 = vector.load %arg2[%get3A_13, %get3A_14] : memref<10240x1xf32, #tpu.memory_space<vmem>>, vector<10240x1xf32>
    %mul3A = vector.broadcast %get3A_15 : vector<10240x1xf32> to vector<10240x40xf32>
    %mul3A_16 = arith.mulf %add3A_12, %mul3A : vector<10240x40xf32>
    %get3A_17 = arith.constant 0 : index
    %get3A_18 = arith.constant 0 : index
    %get3A_19 = vector.load %arg3[%get3A_17, %get3A_18] : memref<1x40xf32, #tpu.memory_space<vmem>>, vector<1x40xf32>
    %add3A_20 = vector.broadcast %get3A_19 : vector<1x40xf32> to vector<10240x40xf32>
    %add3A_21 = arith.addf %mul3A_16, %add3A_20 : vector<10240x40xf32>
    %reduce_max3A = arith.constant dense<0xFF800000> : vector<10240xf32>
    %reduce_max3A_22 = vector.multi_reduction <maximumf>, %add3A_21, %reduce_max3A [1] : vector<10240x40xf32> to vector<10240xf32>
    %broadcast_in_dim3A = vector.shape_cast %reduce_max3A_22 : vector<10240xf32> to vector<10240x1xf32>
    %sub3A = vector.broadcast %broadcast_in_dim3A : vector<10240x1xf32> to vector<10240x40xf32>
    %sub3A_23 = arith.subf %add3A_21, %sub3A : vector<10240x40xf32>
    %exp3A = math.exp %sub3A_23 : vector<10240x40xf32>
    %reduce_sum3A = arith.constant dense<0.000000e+00> : vector<10240xf32>
    %reduce_sum3A_24 = vector.multi_reduction <add>, %exp3A, %reduce_sum3A [1] : vector<10240x40xf32> to vector<10240xf32>
    %broadcast_in_dim3A_25 = vector.shape_cast %reduce_sum3A_24 : vector<10240xf32> to vector<10240x1xf32>
    %log3A = math.log %broadcast_in_dim3A_25 : vector<10240x1xf32>
    %add3A_26 = arith.addf %log3A, %broadcast_in_dim3A : vector<10240x1xf32>
    %sub3A_27 = vector.broadcast %add3A_26 : vector<10240x1xf32> to vector<10240x40xf32>
    %sub3A_28 = arith.subf %add3A_21, %sub3A_27 : vector<10240x40xf32>
    %swap3A = arith.constant 0 : index
    %swap3A_29 = arith.constant 0 : index
    %swap3A_30 = vector.load %arg4[%swap3A, %swap3A_29] : memref<10240x40xf32, #tpu.memory_space<vmem>>, vector<10240x40xf32>
    tpu.vector_store %arg4[%swap3A, %swap3A_29], %sub3A_28 {strides = array<i32>} : memref<10240x40xf32, #tpu.memory_space<vmem>>, vector<10240x40xf32>,
    return
  }
}

</mosaic_0001>

<sc_bundles>
// kernel: kernel.12.cloned.1.call-start
scs
__scs_entry_jumppad:
0x0: {  	(pc) =	sbr.rel $0x88, $3  }
0x1: {  	(tag) =	ssettag $0x0;
	lr =	simm.s32 $0x1  }
0x2: {  	[smem:$0x3F9B] =	sst lr;
	_ =	strace $0xD0000000  }
0x3: {  	_ = 	snop  }
0x4: {  	_ = 	snop  }
0x5: {  	_ = 	snop  }
0x6: {  	_ = 	snop  }
0x7: {  	_ = 	snop  }
__scs_overlays_trampoline_lowered:
0x8: {  	[smem:$0x3FAA] =	sst s0  }
0x9: {  	[smem:$0x3FAB] =	sst s1  }
0xa: {  	[smem:$0x3FAC] =	sst s2  }
0xb: {  	[smem:$0x3FAD] =	sst s3  }
0xc: {  	[smem:$0x3FAE] =	sst s4  }
0xd: {  	[smem:$0x3FAF] =	sst s5  }
0xe: {  	[smem:$0x3FB0] =	sst s6  }
0xf: {  	[smem:$0x3FB1] =	sst s7  }
0x10: {  	[smem:$0x3FB2] =	sst s8  }
0x11: {  	[smem:$0x3FB3] =	sst s9;
	s0 =	simm.s32 @!p0 $0x0  }
0x12: {  	s1 =	sld [smem:$0x3F99];
	s0 =	simm.s32 @p0 $0x1  }
0x13: {  	[smem:$0x3FB4] =	sst s0;
	s0 =	simm.s32 @!p1 $0x0  }
0x14: {  	s2 =	sld [smem:$0x3F98];
	s0 =	simm.s32 @p1 $0x1  }
0x15: {  	[smem:$0x3FB5] =	sst s0;
	s0 =	simm.s32 @!p2 $0x0  }
0x16: {  	s3 =	sld [smem:$0x3FDB];
	s0 =	simm.s32 @p2 $0x1  }
0x17: {  	s4 =	simm.s32 $0x1BF5;
	[smem:$0x3FB7] =	sst s0  }
0x18: {  	s0 =	sld [smem:$0x3F9A];
	_ =	swait.ge [sflag:s4], $0x0  }
0x19: {  	s7 =	sld [smem:$0x3F9B]  }
0x1a: {  	s8 =	sadd.s32 $0xFFFFE003, lr  }
0x1b: {  	s9 =	sadd.s32 $0xFFFFFEF7, lr;
	s5 =	simm.s32 $0xFFFFFFFF;
	p2 =	slt.u32 s8, $0xFFFFF086  }
0x1c: {  	p1 =	slt.u32 s9, $0xF7A;
	s5 =	simm.s32 @!p2 $0x0  }
0x1d: {  	s5 =	simm.s32 @p1 $0x1;
	p0 =	seq.s32 s7, s2  }
0x1e: {  	s7 =	smul.u32 @!p0 $0xF7A, s2;
	p2 =	seq.s32 @!p0 s5, $0x0  }
0x1f: {  	s9 =	smul.u32 $0xF7A, s1;
	s8 =	simm.s32 @!p0 $0x1BF5;
	p2 =	por !p2, p0  }
0x20: {  	[sflag:s8] =	ssyncset.s32 @!p0 $0xFFFFF086;
	s6 =	sadd.s32 @!p0 s3, s7;
	s7 =	simm.s32 @!p0 $0x108  }
0x21: {  	s3 =	sadd.s32 s3, s9;
	s6 =	sadd.s32 @!p0 $0x88, s6;
	s7 =	simm.s32 @p2 $0x1082  }
0x22: {  	[simem:s7], [sflag:s8] =	dma.local @!p0 [hbm:s6], $0xF7A  }
0x23: {  	s9 =	sor.u32 $0xD0000000, s2;
	s6 =	simm.s32 $0x108;
	_ =	swait.ge @!p0 [sflag:s8], $0x0  }
0x24: {  	s3 =	sadd.s32 $0x88, s3;
	s6 =	simm.s32 @!p1 $0x1082;
	[sflag:s4] =	ssyncset.s32 $0xFFFFF086  }
0x25: {  	[simem:s6], [sflag:s4] =	dma.local [hbm:s3], $0xF7A  }
0x26: {  	[smem:$0x3F9B] =	sst s1;
	(tag) =	ssettag s2;
	_ =	strace s9  }
0x27: {  	s1 =	sld [smem:$0x3FAB]  }
0x28: {  	s2 =	sld [smem:$0x3FAC]  }
0x29: {  	s4 =	sld [smem:$0x3FAE]  }
0x2a: {  	p0 =	seq.s32 s5, $0x0;
	s5 =	sld [smem:$0x3FAF]  }
0x2b: {  	s6 =	sld [smem:$0x3FB0]  }
0x2c: {  	s7 =	sld [smem:$0x3FB1]  }
0x2d: {  	s3 =	simm.s32 $0x108;
	s8 =	sld [smem:$0x3FB2]  }
0x2e: {  	s3 =	simm.s32 @!p0 $0x1082;
	s9 =	sld [smem:$0x3FB3]  }
0x2f: {  	lr =	sadd.s32 s0, s3;
	s0 =	sld [smem:$0x3FAA]  }
0x30: {  	s3 =	sld [smem:$0x3FAD]  }
0x31: {  	[smem:$0x3FB6] =	sst s10  }
0x32: {  	s10 =	sld [smem:$0x3FB4];
	_ =	sdelay $0x3  }
0x33: {  	p0 =	seq.s32 s10, $0x1;
	s10 =	sld [smem:$0x3FB6];
	_ =	sdelay $0x3  }
0x34: {  	[smem:$0x3FB6] =	sst s10  }
0x35: {  	s10 =	sld [smem:$0x3FB5];
	_ =	sdelay $0x3  }
0x36: {  	p1 =	seq.s32 s10, $0x1;
	s10 =	sld [smem:$0x3FB6];
	_ =	sdelay $0x3  }
0x37: {  	[smem:$0x3FB6] =	sst s10  }
0x38: {  	s10 =	sld [smem:$0x3FB7]  }
0x39: {  	_ = 	snop;
	(pc) =	sbr.ind lr, $3  }
0x3a: {  	_ = 	snop  }
0x3b: {  	_ = 	snop  }
0x3c: {  	p2 =	seq.s32 s10, $0x1;
	s10 =	sld [smem:$0x3FB6]  }
0x3d: {  	_ =	shalt  }
0x3e: {  	_ =	shalt  }
0x3f: {  	_ =	shalt  }
0x40: {  	_ =	shalt  }
0x41: {  	_ =	shalt  }
0x42: {  	_ =	shalt  }
0x43: {  	_ =	shalt  }
0x44: {  	_ =	shalt  }
0x45: {  	_ =	shalt  }
0x46: {  	_ =	shalt  }
0x47: {  	_ =	shalt  }
0x48: {  	_ =	shalt  }
0x49: {  	_ =	shalt  }
0x4a: {  	_ =	shalt  }
0x4b: {  	_ =	shalt  }
0x4c: {  	_ =	shalt  }
0x4d: {  	_ =	shalt  }
0x4e: {  	_ =	shalt  }
0x4f: {  	_ =	shalt  }
0x50: {  	_ =	shalt  }
0x51: {  	_ =	shalt  }
0x52: {  	_ =	shalt  }
0x53: {  	_ =	shalt  }
0x54: {  	_ =	shalt  }
0x55: {  	_ =	shalt  }
0x56: {  	_ =	shalt  }
0x57: {  	_ =	shalt  }
0x58: {  	_ =	shalt  }
0x59: {  	_ =	shalt  }
0x5a: {  	_ =	shalt  }
0x5b: {  	_ =	shalt  }
0x5c: {  	_ =	shalt  }
0x5d: {  	_ =	shalt  }
0x5e: {  	_ =	shalt  }
0x5f: {  	_ =	shalt  }
0x60: {  	_ =	shalt  }
0x61: {  	_ =	shalt  }
0x62: {  	_ =	shalt  }
0x63: {  	_ =	shalt  }
0x64: {  	_ =	shalt  }
0x65: {  	_ =	shalt  }
0x66: {  	_ =	shalt  }
0x67: {  	_ =	shalt  }
0x68: {  	_ =	shalt  }
0x69: {  	_ =	shalt  }
0x6a: {  	_ =	shalt  }
0x6b: {  	_ =	shalt  }
0x6c: {  	_ =	shalt  }
0x6d: {  	_ =	shalt  }
0x6e: {  	_ =	shalt  }
0x6f: {  	_ =	shalt  }
0x70: {  	_ =	shalt  }
0x71: {  	_ =	shalt  }
0x72: {  	_ =	shalt  }
0x73: {  	_ =	shalt  }
0x74: {  	_ =	shalt  }
0x75: {  	_ =	shalt  }
0x76: {  	_ =	shalt  }
0x77: {  	_ =	shalt  }
0x78: {  	_ =	shalt  }
0x79: {  	_ =	shalt  }
0x7a: {  	_ =	shalt  }
0x7b: {  	_ =	shalt  }
0x7c: {  	_ =	shalt  }
0x7d: {  	_ =	shalt  }
0x7e: {  	_ =	shalt  }
0x7f: {  	_ =	shalt  }
0x80: {  	_ =	shalt  }
0x81: {  	_ =	shalt  }
0x82: {  	_ =	shalt  }
0x83: {  	_ =	shalt  }
0x84: {  	_ =	shalt  }
0x85: {  	_ =	shalt  }
0x86: {  	_ =	shalt  }
0x87: {  	_ =	shalt  }
.Lfunc_end0:
.L_simem_size_0:
called_computation.1_lowered:
.L_overlay_start_0:
0x88: {  	s2 =	sld [smem:$0x3FD9]  }
0x89: {  	s3 =	sld [smem:$0x3FFE];
	_ =	sdelay $0x1  }
0x8a: {  	s1 =	srdreg.scid  }
0x8b: {  	s0 =	sand.u32 $0x1, s1  }
0x8c: {  	s17 =	sshll.u32 s0, $0xA;
	s2 =	sadd.s32 s3, s2  }
0x8d: {  	s2 =	sadd.s32 s2, s17  }
0x8e: {  	[smem:$0x3FC2] =	sst s2  }
0x8f: {  	_ = 	snop  }
0x90: {  	s2 =	sld [smem:$0x3FD0];
	(tm) =	ssettm $0x1  }
0x91: {  	s18 =	sld [smem:$0x3FFB];
	_ =	sdelay $0x3  }
0x92: {  	_ =	strace s18  }
0x93: {  	s3 =	sld [smem:$0x3FFC];
	_ =	sdelay $0x3  }
0x94: {  	_ =	strace s3  }
0x95: {  	s3 =	sld [smem:$0x3FFD];
	_ =	sdelay $0x3  }
0x96: {  	_ =	strace s3  }
0x97: {  	_ =	strace $0x8FFFFFFF  }
0x98: {  	s19 =	sld [smem:$0x3FDB];
	_ =	sdelay $0x1  }
0x99: {  	s4 =	simm.s32 $_scs_section_size  }
0x9a: {  	s5 =	simm.s32 $_size__tile_overlayer_lowered;
	s6 =	simm.s32 $_tile_overlayer_lowered  }
0x9b: {  	s22 =	simm.s32 $0x1BFF;
	s21 =	sshll.u32 s6, $0x1;
	s3 =	sadd.s32 s4, s19  }
0x9c: {  	s7 =	simm.s32 $0x0;
	s20 =	sshll.u32 s5, $0x1;
	s5 =	sadd.s32 s21, s3  }
0x9d: {  	[timem:s7], [sflag:s22] =	dma.local [hbm:s5], s20  }
0x9e: {  	_ =	swait.ge [sflag:s22], s20  }
0x9f: {  	s4 =	ssub.s32 $0x0, s20;
	[sflag:s22] =	ssyncset.done $0x0  }
0xa0: {  	[sflag:s22] =	ssyncadd.s32 s4;
	_ =	sdelay $0x1  }
0xa1: {  	s23 =	simm.s32 $0x1B8B  }
0xa2: {  	_ =	swait.ge [sflag:s23], $0x1  }
0xa3: {  	[sflag:s23] =	ssyncset.done $0x0  }
0xa4: {  	s25 =	simm.s32 $0x1B8E;
	s24 =	sld [smem:$0x3FFE];
	[sflag:s23] =	ssyncadd.s32 $0xFFFFFFFF  }
0xa5: {  	s26 =	simm.s32 $execute0_lowered;
	[smem:$0x3FD2] =	sst s25  }
0xa6: {  	s5 =	sshll.u32 s26, $0x1;
	_ =	strace $0x80000049;
	[dreg:$0x1] =	wrdreg $0xFFFFFFFF  }
0xa7: {  	s28 =	simm.s32 $_size_execute0_lowered;
	s3 =	sadd.s32 s3, s5;
	[dreg:$0x0] =	wrdreg $0x0  }
0xa8: {  	s5 =	sshll.u32 s28, $0x1;
	[dreg:$0x2] =	wrdreg s3  }
0xa9: {  	[dreg:$0x3] =	wrdreg s5  }
0xaa: {  	[dreg:$0x4] =	wrdreg $0xC0  }
0xab: {  	_ =	task [dreg:s7], $0x5FFFF  }
0xac: {  	[dreg:$0x1] =	wrdreg $0xFFFFFFFF  }
0xad: {  	[dreg:$0x0] =	wrdreg $0x60  }
0xae: {  	[dreg:$0x2] =	wrdreg s24  }
0xaf: {  	[dreg:$0x3] =	wrdreg s2  }
0xb0: {  	[dreg:$0x4] =	wrdreg $0x70000  }
0xb1: {  	[dreg:$0x5] =	wrdreg $0x9  }
0xb2: {  	_ =	task.clear_ibuf [dreg:s7], $0x6FFFF;
	_ =	strace $0x90000049  }
0xb3: {  	s29 =	simm.s32 $0x9;
	_ =	strace $0x8000004B  }
0xb4: {  	_ =	swait.ge [sflag:s29], $0x1  }
0xb5: {  	[sflag:s29] =	ssyncadd.s32 $0xFFFFFFFF  }
0xb6: {  	_ =	strace $0x9000004B  }
0xb7: {  	_ =	sfence  }
0xb8: {  	s30 =	sld [smem:$0x0];
	_ =	sdelay $0x2  }
0xb9: {  	s31 =	sshll.u32 s1, $0xD;
	s1 =	sshrl.u32 s1, $0x2  }
0xba: {  	s3 =	sand.u32 $0x4000, s31;
	s1 =	sadd.s32 s1, s30  }
0xbb: {  	s0 =	sor.u32 s3, s0;
	s1 =	sshll.u32 s1, $0x11  }
0xbc: {  	s0 =	sor.u32 s1, s0  }
0xbd: {  	s0 =	sadd.s32 $0x8F2B, s0  }
0xbe: {  	[sflag:s0] =	ssyncadd.remote.s32 $0x1  }
0xbf: {  	_ =	sfence.sel $0xFFFF  }
0xc0: {  	[dreg:$0x0] =	wrdreg $0xFFFFFFFF;
	(pc) =	sbr.abs _section_cstart, $3  }
0xc1: {  	[dreg:$0x1] =	wrdreg $0xFFFFFFFF  }
0xc2: {  	_ =	task.clear_ibuf [dreg:s7], $0x2FFFF;
	_ =	strace $0x9FFFFFFF  }
0xc3: {  	(tm) =	ssettm $0x7FFFFFFF  }
tec
execute0_lowered:
.L_overlay_start_1:
0x0: {  	(tag) =	ssettag $0x1  }
0x1: {  	s0 =	rddreg [dreg:$0x0]  }
0x2: {  	s1 =	rddreg [dreg:$0x1];
	s3 =	srdreg.scid  }
0x3: {  	s13 =	stileid.u32;
	s2 =	rddreg [dreg:$0x2]  }
0x4: {  	s14 =	simm.s32 $0x80;
	s15 =	simm.s32 $0x5000;
	s16 =	simm.s32 $0x5800  }
0x5: {  	s17 =	simm.s32 $0x1;
	s19 =	simm.s32 $0x6000;
	s20 =	simm.s32 $0x2  }
0x6: {  	s23 =	simm.s32 $0x6800;
	s24 =	simm.s32 $0x3;
	s29 =	simm.s32 $0x4  }
0x7: {  	s31 =	simm.s32 $0x6;
	s18 =	simm.s32 $0x8;
	s21 =	simm.s32 $0x0  }
0x8: {  	s5 =	sand.u32 $0x1, s3;
	s4 =	sshll.u32 s13, $0x1;
	s3 =	simm.s32 $0x0  }
0x9: {  	s7 =	smul.u32 $0x2800, s13;
	s26 =	sshll.u32 s13, $0x6;
	s13 =	simm.s32 $0x2800  }
0xa: {  	s4 =	sor.u32 s5, s4;
	[smem:$0x7FF] =	sst s3;
	s11 =	smul.u32 $0x28000, s5  }
0xb: {  	s25 =	ssub.s32 $0x2, s5;
	s6 =	smul.u32 $0x500, s4;
	_ =	strace $0x8000004A  }
0xc: {  	s4 =	sadd.s32 $0xB800, s0;
	s9 =	sshrl.u32 s7, $0x3;
	s10 =	sshrl.u32 s25, $0x1  }
0xd: {  	s12 =	sadd.s32 s7, s2;
	s10 =	ssub.s32 s25, s10;
	s28 =	sadd.s32 s7, s11  }
.Ltmp0:
0xe: {  	s11 =	sshrl.u32 s12, $0x3;
	s12 =	simm.s32 $0x9;
	(pc) =	sbr.rel .LBB2_1-.Ltmp0, $4  }
0xf: {  	s8 =	sadd.s32 s6, s0;
	s0 =	sadd.s32 s9, s0;
	s6 =	sor.u32 $0x1C09, s26  }
0x10: {  	s30 =	sshrl.u32 s28, $0x3;
	s10 =	smax.u32 s10, $0x1;
	s26 =	simm.s32 $0x5  }
0x11: {  	s5 =	sadd.s32 $0x10800, s0;
	s7 =	sadd.s32 $0x15800, s8;
	s8 =	sadd.s32 $0x1800, s8  }
0x12: {  	s9 =	sadd.s32 s1, s30;
	s1 =	simm.s32 $0x280;
	s0 =	simm.s32 $0x7  }
.LBB2_4:
0x13: {  	_ =	swait.ge [sflag:s29], $0x800  }
0x14: {  	[sflag:s29] =	ssyncset.done $0x0  }
0x15: {  	[sflag:s29] =	ssyncadd.s32 $0xFFFFF800  }
0x16: {  	[spmem:s2] =	stream.indirect.scatter.add.f32 [tilespmem:s23], [sflag:$0x8], $0x10, s28, s14, $0xb8;
	[tilespmem:$0x9800] =	vst v63  }
0x17: {  	_ =	swait.ge [sflag:s31], $0x800  }
0x18: {  	[sflag:s31] =	ssyncset.done $0x0  }
0x19: {  	[sflag:s31] =	ssyncadd.s32 $0xFFFFF800  }
0x1a: {  	_ =	swait.ge [sflag:s0], $0x800  }
0x1b: {  	[sflag:s0] =	ssyncset.done $0x0  }
0x1c: {  	[sflag:s0] =	ssyncadd.s32 $0xFFFFF800  }
0x1d: {  	_ =	swait.ge [sflag:s18], $0x800  }
0x1e: {  	s21 =	sadd.s32 $0x1, s21;
	[sflag:s18] =	ssyncset.done $0x0  }
0x1f: {  	p0 =	sne.s32 s21, s10;
	[sflag:s18] =	ssyncadd.s32 $0xFFFFF800  }
.Ltmp1:
0x20: {  	[bflag:$0x0] =	sbarrier.arrive $0xFFFF;
	(pc) =	sbr.rel @!p0 .LBB2_5-.Ltmp1, $4  }
0x21: {  	[hbm:s9], [sflag:s6] =	dma.local [spmem:s11], $0x500  }
0x22: {  	_ =	swait.ge [sflag:s12], $0x500  }
0x23: {  	[sflag:s12] =	ssyncset.done $0x0  }
0x24: {  	[sflag:s12] =	ssyncadd.s32 $0xFFFFFB00  }
.LBB2_1:
0x25: {  	[spmem:s11], [sflag:s6] =	dma.local [hbm:s5], $0x500  }
0x26: {  	_ =	swait.ge [sflag:s12], $0x500  }
0x27: {  	[sflag:s12] =	ssyncset.done $0x0  }
0x28: {  	[sflag:s12] =	ssyncadd.s32 $0xFFFFFB00  }
0x29: {  	[tilespmem:s3], [sflag:$0x9] =	stream.linear.gather [hbm4b:s7+s3], $0x2800, $0x38;
	[tilespmem:$0x9800] =	vst v63  }
0x2a: {  	_ =	swait.ge [sflag:s12], $0x2800  }
0x2b: {  	[sflag:s12] =	ssyncset.done $0x0  }
0x2c: {  	[sflag:s12] =	ssyncadd.s32 $0xFFFFD800  }
0x2d: {  	[tilespmem:s13], [sflag:$0x9] =	stream.linear.gather [hbm4b:s8+s3], $0x2800, $0x38;
	[tilespmem:$0x9800] =	vst v63  }
0x2e: {  	_ =	swait.ge [sflag:s12], $0x2800  }
0x2f: {  	[sflag:s12] =	ssyncset.done $0x0  }
0x30: {  	[sflag:s12] =	ssyncadd.s32 $0xFFFFD800  }
0x31: {  	[bflag:$0x0] =	sbarrier.arrive $0xFFFF  }
0x32: {  	[tilespmem:s15], [sflag:$0x1] =	stream.indirect.gather [hbm4b:s4+s14], $0x10, s3, s14, $0xb8;
	[tilespmem:$0x9800] =	vst v63  }
0x33: {  	_ = 	snop  }
0x34: {  	[tilespmem:s16], [sflag:$0x2] =	stream.indirect.gather [hbm4b:s4+s14], $0x10, s14, s14, $0xb8;
	[tilespmem:$0x9800] =	vst v63  }
0x35: {  	_ =	swait.ge [sflag:s17], $0x800  }
0x36: {  	[sflag:s17] =	ssyncset.done $0x0  }
0x37: {  	[sflag:s17] =	ssyncadd.s32 $0xFFFFF800  }
0x38: {  	[spmem:s2] =	stream.indirect.scatter.add.f32 [tilespmem:s15], [sflag:$0x5], $0x10, s13, s14, $0xb8;
	[tilespmem:$0x9800] =	vst v63  }
0x39: {  	s22 =	simm.s32 $0x100  }
0x3a: {  	[tilespmem:s19], [sflag:$0x3] =	stream.indirect.gather [hbm4b:s4+s14], $0x10, s22, s14, $0xb8;
	[tilespmem:$0x9800] =	vst v63  }
0x3b: {  	_ =	swait.ge [sflag:s20], $0x800  }
0x3c: {  	[sflag:s20] =	ssyncset.done $0x0  }
0x3d: {  	s28 =	simm.s32 $0x2880;
	[sflag:s20] =	ssyncadd.s32 $0xFFFFF800  }
0x3e: {  	[spmem:s2] =	stream.indirect.scatter.add.f32 [tilespmem:s16], [sflag:$0x6], $0x10, s28, s14, $0xb8;
	[tilespmem:$0x9800] =	vst v63  }
0x3f: {  	s30 =	simm.s32 $0x180  }
0x40: {  	[tilespmem:s23], [sflag:$0x4] =	stream.indirect.gather [hbm4b:s4+s14], $0x10, s30, s14, $0xb8;
	[tilespmem:$0x9800] =	vst v63  }
0x41: {  	_ =	swait.ge [sflag:s24], $0x800  }
0x42: {  	[sflag:s24] =	ssyncset.done $0x0  }
0x43: {  	s25 =	simm.s32 $0x2900;
	[sflag:s24] =	ssyncadd.s32 $0xFFFFF800  }
0x44: {  	[spmem:s2] =	stream.indirect.scatter.add.f32 [tilespmem:s19], [sflag:$0x7], $0x10, s25, s14, $0xb8;
	[tilespmem:$0x9800] =	vst v63  }
0x45: {  	_ =	swait.ge [sflag:s26], $0x800  }
0x46: {  	[sflag:s26] =	ssyncset.done $0x0  }
0x47: {  	s28 =	simm.s32 $0x200;
	[sflag:s26] =	ssyncadd.s32 $0xFFFFF800  }
0x48: {  	[tilespmem:s15], [sflag:$0x1] =	stream.indirect.gather [hbm4b:s4+s14], $0x10, s28, s14, $0xb8;
	[tilespmem:$0x9800] =	vst v63  }
0x49: {  	_ =	swait.ge [sflag:s29], $0x800  }
0x4a: {  	[sflag:s29] =	ssyncset.done $0x0  }
0x4b: {  	s30 =	simm.s32 $0x2980;
	[sflag:s29] =	ssyncadd.s32 $0xFFFFF800  }
0x4c: {  	[spmem:s2] =	stream.indirect.scatter.add.f32 [tilespmem:s23], [sflag:$0x8], $0x10, s30, s14, $0xb8;
	[tilespmem:$0x9800] =	vst v63  }
0x4d: {  	_ =	swait.ge [sflag:s31], $0x800  }
0x4e: {  	[sflag:s31] =	ssyncset.done $0x0  }
0x4f: {  	s22 =	simm.s32 $0x0;
	[sflag:s31] =	ssyncadd.s32 $0xFFFFF800  }
0x50: {  	[tilespmem:s16], [sflag:$0x2] =	stream.indirect.gather [hbm4b:s4+s14], $0x10, s1, s14, $0xb8;
	[tilespmem:$0x9800] =	vst v63  }
.LBB2_2:
0x51: {  	_ =	swait.ge [sflag:s17], $0x800  }
0x52: {  	s25 =	sshra.s32 s22, $0x2;
	[sflag:s17] =	ssyncset.done $0x0  }
0x53: {  	s28 =	sadd.s32 $0x2A00, s25;
	[sflag:s17] =	ssyncadd.s32 $0xFFFFF800  }
0x54: {  	[spmem:s2] =	stream.indirect.scatter.add.f32 [tilespmem:s15], [sflag:$0x5], $0x10, s28, s14, $0xb8;
	[tilespmem:$0x9800] =	vst v63  }
0x55: {  	_ =	swait.ge [sflag:s0], $0x800  }
0x56: {  	[sflag:s0] =	ssyncset.done $0x0  }
0x57: {  	s28 =	sadd.s32 $0x300, s25;
	[sflag:s0] =	ssyncadd.s32 $0xFFFFF800  }
0x58: {  	[tilespmem:s19], [sflag:$0x3] =	stream.indirect.gather [hbm4b:s4+s14], $0x10, s28, s14, $0xb8;
	[tilespmem:$0x9800] =	vst v63  }
0x59: {  	_ =	swait.ge [sflag:s20], $0x800  }
0x5a: {  	[sflag:s20] =	ssyncset.done $0x0  }
0x5b: {  	s28 =	sadd.s32 $0x2A80, s25;
	[sflag:s20] =	ssyncadd.s32 $0xFFFFF800  }
0x5c: {  	[spmem:s2] =	stream.indirect.scatter.add.f32 [tilespmem:s16], [sflag:$0x6], $0x10, s28, s14, $0xb8;
	[tilespmem:$0x9800] =	vst v63  }
0x5d: {  	_ =	swait.ge [sflag:s18], $0x800  }
0x5e: {  	[sflag:s18] =	ssyncset.done $0x0  }
0x5f: {  	s28 =	sadd.s32 $0x380, s25;
	[sflag:s18] =	ssyncadd.s32 $0xFFFFF800  }
0x60: {  	[tilespmem:s23], [sflag:$0x4] =	stream.indirect.gather [hbm4b:s4+s14], $0x10, s28, s14, $0xb8;
	[tilespmem:$0x9800] =	vst v63  }
0x61: {  	_ =	swait.ge [sflag:s24], $0x800  }
0x62: {  	p0 =	seq.s32 s22, $0x9000;
	[sflag:s24] =	ssyncset.done $0x0  }
.Ltmp2:
0x63: {  	s28 =	sadd.s32 $0x2B00, s25;
	[sflag:s24] =	ssyncadd.s32 $0xFFFFF800;
	(pc) =	sbr.rel @p0 .LBB2_4-.Ltmp2, $4  }
0x64: {  	[spmem:s2] =	stream.indirect.scatter.add.f32 [tilespmem:s19], [sflag:$0x7], $0x10, s28, s14, $0xb8;
	[tilespmem:$0x9800] =	vst v63  }
0x65: {  	_ =	swait.ge [sflag:s26], $0x800  }
0x66: {  	[sflag:s26] =	ssyncset.done $0x0  }
0x67: {  	s28 =	sadd.s32 $0x2B80, s25;
	[sflag:s26] =	ssyncadd.s32 $0xFFFFF800  }
0x68: {  	s30 =	sadd.s32 $0x400, s25  }
0x69: {  	[tilespmem:s15], [sflag:$0x1] =	stream.indirect.gather [hbm4b:s4+s14], $0x10, s30, s14, $0xb8;
	[tilespmem:$0x9800] =	vst v63  }
0x6a: {  	_ =	swait.ge [sflag:s29], $0x800  }
0x6b: {  	[sflag:s29] =	ssyncset.done $0x0  }
0x6c: {  	[sflag:s29] =	ssyncadd.s32 $0xFFFFF800  }
0x6d: {  	[spmem:s2] =	stream.indirect.scatter.add.f32 [tilespmem:s23], [sflag:$0x8], $0x10, s28, s14, $0xb8;
	[tilespmem:$0x9800] =	vst v63  }
.Ltmp3:
0x6e: {  	_ = 	snop;
	(pc) =	sbr.rel .LBB2_2-.Ltmp3, $4  }
0x6f: {  	_ =	swait.ge [sflag:s31], $0x800  }
0x70: {  	[sflag:s31] =	ssyncset.done $0x0  }
0x71: {  	s22 =	sadd.s32 $0x800, s22;
	s30 =	sadd.s32 $0x480, s25;
	[sflag:s31] =	ssyncadd.s32 $0xFFFFF800  }
0x72: {  	[tilespmem:s16], [sflag:$0x2] =	stream.indirect.gather [hbm4b:s4+s14], $0x10, s30, s14, $0xb8;
	[tilespmem:$0x9800] =	vst v63  }
.LBB2_5:
0x73: {  	_ =	sfence.sel $0x180000  }
0x74: {  	[bflag:$0x0] =	sbarrier.arrive $0xFFFF  }
0x75: {  	_ =	strace $0x9000004A  }
0x76: {  	s0 =	stileid.u32;
	[bflag:$0x2] =	sbarrier.arrive $0xFFFF  }
0x77: {  	p0 =	sne.s32 s0, $0x0;
	s0 =	rddreg [dreg:$0x3]  }
0x78: {  	s0 =	sadd.s32 @!p0 $0x100000, s0  }
0x79: {  	[sflag:s0] =	ssyncadd.tile.s32 @!p0 $0x1;
	_ =	shalt  }
.Lfunc_end2:
_tile_overlayer_lowered:
.L_overlay_start_2:
0x7a: {  	(tag) =	ssettag $0x2  }
0x7b: {  	s0 =	rddreg [dreg:$0x0];
	s2 =	stileid.u32  }
0x7c: {  	s1 =	rddreg [dreg:$0x1];
	p0 =	sne.s32 s2, $0x0  }
0x7d: {  	s3 =	rddreg [dreg:$0x2];
	[bflag:$0x3] =	sbarrier.arrive $0xFFFF;
	s2 =	simm.s32 @!p0 $0x1C09  }
0x7e: {  	[timem:s3], [sflag:s2] =	dma.local @!p0 [hbm:s0], s1  }
0x7f: {  	s0 =	simm.s32 @!p0 $0x9  }
0x80: {  	_ =	swait.ge @!p0 [sflag:s0], s1  }
0x81: {  	s1 =	ssub.s32 @!p0 $0x0, s1;
	[sflag:s0] =	ssyncset.done @!p0 $0x0  }
0x82: {  	[sflag:s0] =	ssyncadd.s32 @!p0 s1  }
0x83: {  	[bflag:$0x3] =	sbarrier.arrive $0xFFFF  }
0x84: {  	_ =	shalt  }

// kernel: kernel.15.cloned.1.call-start
scs
__scs_entry_jumppad:
0x0: {  	(pc) =	sbr.rel $0x88, $3  }
0x1: {  	(tag) =	ssettag $0x0;
	lr =	simm.s32 $0x1  }
0x2: {  	[smem:$0x3F9B] =	sst lr;
	_ =	strace $0xD0000000  }
0x3: {  	_ = 	snop  }
0x4: {  	_ = 	snop  }
0x5: {  	_ = 	snop  }
0x6: {  	_ = 	snop  }
0x7: {  	_ = 	snop  }
__scs_overlays_trampoline_lowered:
0x8: {  	[smem:$0x3FAA] =	sst s0  }
0x9: {  	[smem:$0x3FAB] =	sst s1  }
0xa: {  	[smem:$0x3FAC] =	sst s2  }
0xb: {  	[smem:$0x3FAD] =	sst s3  }
0xc: {  	[smem:$0x3FAE] =	sst s4  }
0xd: {  	[smem:$0x3FAF] =	sst s5  }
0xe: {  	[smem:$0x3FB0] =	sst s6  }
0xf: {  	[smem:$0x3FB1] =	sst s7  }
0x10: {  	[smem:$0x3FB2] =	sst s8  }
0x11: {  	[smem:$0x3FB3] =	sst s9;
	s0 =	simm.s32 @!p0 $0x0  }
0x12: {  	s1 =	sld [smem:$0x3F99];
	s0 =	simm.s32 @p0 $0x1  }
0x13: {  	[smem:$0x3FB4] =	sst s0;
	s0 =	simm.s32 @!p1 $0x0  }
0x14: {  	s2 =	sld [smem:$0x3F98];
	s0 =	simm.s32 @p1 $0x1  }
0x15: {  	[smem:$0x3FB5] =	sst s0;
	s0 =	simm.s32 @!p2 $0x0  }
0x16: {  	s3 =	sld [smem:$0x3FDB];
	s0 =	simm.s32 @p2 $0x1  }
0x17: {  	s4 =	simm.s32 $0x1BF5;
	[smem:$0x3FB7] =	sst s0  }
0x18: {  	s0 =	sld [smem:$0x3F9A];
	_ =	swait.ge [sflag:s4], $0x0  }
0x19: {  	s7 =	sld [smem:$0x3F9B]  }
0x1a: {  	s8 =	sadd.s32 $0xFFFFE003, lr  }
0x1b: {  	s9 =	sadd.s32 $0xFFFFFEF7, lr;
	s5 =	simm.s32 $0xFFFFFFFF;
	p2 =	slt.u32 s8, $0xFFFFF086  }
0x1c: {  	p1 =	slt.u32 s9, $0xF7A;
	s5 =	simm.s32 @!p2 $0x0  }
0x1d: {  	s5 =	simm.s32 @p1 $0x1;
	p0 =	seq.s32 s7, s2  }
0x1e: {  	s7 =	smul.u32 @!p0 $0xF7A, s2;
	p2 =	seq.s32 @!p0 s5, $0x0  }
0x1f: {  	s9 =	smul.u32 $0xF7A, s1;
	s8 =	simm.s32 @!p0 $0x1BF5;
	p2 =	por !p2, p0  }
0x20: {  	[sflag:s8] =	ssyncset.s32 @!p0 $0xFFFFF086;
	s6 =	sadd.s32 @!p0 s3, s7;
	s7 =	simm.s32 @!p0 $0x108  }
0x21: {  	s3 =	sadd.s32 s3, s9;
	s6 =	sadd.s32 @!p0 $0x88, s6;
	s7 =	simm.s32 @p2 $0x1082  }
0x22: {  	[simem:s7], [sflag:s8] =	dma.local @!p0 [hbm:s6], $0xF7A  }
0x23: {  	s9 =	sor.u32 $0xD0000000, s2;
	s6 =	simm.s32 $0x108;
	_ =	swait.ge @!p0 [sflag:s8], $0x0  }
0x24: {  	s3 =	sadd.s32 $0x88, s3;
	s6 =	simm.s32 @!p1 $0x1082;
	[sflag:s4] =	ssyncset.s32 $0xFFFFF086  }
0x25: {  	[simem:s6], [sflag:s4] =	dma.local [hbm:s3], $0xF7A  }
0x26: {  	[smem:$0x3F9B] =	sst s1;
	(tag) =	ssettag s2;
	_ =	strace s9  }
0x27: {  	s1 =	sld [smem:$0x3FAB]  }
0x28: {  	s2 =	sld [smem:$0x3FAC]  }
0x29: {  	s4 =	sld [smem:$0x3FAE]  }
0x2a: {  	p0 =	seq.s32 s5, $0x0;
	s5 =	sld [smem:$0x3FAF]  }
0x2b: {  	s6 =	sld [smem:$0x3FB0]  }
0x2c: {  	s7 =	sld [smem:$0x3FB1]  }
0x2d: {  	s3 =	simm.s32 $0x108;
	s8 =	sld [smem:$0x3FB2]  }
0x2e: {  	s3 =	simm.s32 @!p0 $0x1082;
	s9 =	sld [smem:$0x3FB3]  }
0x2f: {  	lr =	sadd.s32 s0, s3;
	s0 =	sld [smem:$0x3FAA]  }
0x30: {  	s3 =	sld [smem:$0x3FAD]  }
0x31: {  	[smem:$0x3FB6] =	sst s10  }
0x32: {  	s10 =	sld [smem:$0x3FB4];
	_ =	sdelay $0x3  }
0x33: {  	p0 =	seq.s32 s10, $0x1;
	s10 =	sld [smem:$0x3FB6];
	_ =	sdelay $0x3  }
0x34: {  	[smem:$0x3FB6] =	sst s10  }
0x35: {  	s10 =	sld [smem:$0x3FB5];
	_ =	sdelay $0x3  }
0x36: {  	p1 =	seq.s32 s10, $0x1;
	s10 =	sld [smem:$0x3FB6];
	_ =	sdelay $0x3  }
0x37: {  	[smem:$0x3FB6] =	sst s10  }
0x38: {  	s10 =	sld [smem:$0x3FB7]  }
0x39: {  	_ = 	snop;
	(pc) =	sbr.ind lr, $3  }
0x3a: {  	_ = 	snop  }
0x3b: {  	_ = 	snop  }
0x3c: {  	p2 =	seq.s32 s10, $0x1;
	s10 =	sld [smem:$0x3FB6]  }
0x3d: {  	_ =	shalt  }
0x3e: {  	_ =	shalt  }
0x3f: {  	_ =	shalt  }
0x40: {  	_ =	shalt  }
0x41: {  	_ =	shalt  }
0x42: {  	_ =	shalt  }
0x43: {  	_ =	shalt  }
0x44: {  	_ =	shalt  }
0x45: {  	_ =	shalt  }
0x46: {  	_ =	shalt  }
0x47: {  	_ =	shalt  }
0x48: {  	_ =	shalt  }
0x49: {  	_ =	shalt  }
0x4a: {  	_ =	shalt  }
0x4b: {  	_ =	shalt  }
0x4c: {  	_ =	shalt  }
0x4d: {  	_ =	shalt  }
0x4e: {  	_ =	shalt  }
0x4f: {  	_ =	shalt  }
0x50: {  	_ =	shalt  }
0x51: {  	_ =	shalt  }
0x52: {  	_ =	shalt  }
0x53: {  	_ =	shalt  }
0x54: {  	_ =	shalt  }
0x55: {  	_ =	shalt  }
0x56: {  	_ =	shalt  }
0x57: {  	_ =	shalt  }
0x58: {  	_ =	shalt  }
0x59: {  	_ =	shalt  }
0x5a: {  	_ =	shalt  }
0x5b: {  	_ =	shalt  }
0x5c: {  	_ =	shalt  }
0x5d: {  	_ =	shalt  }
0x5e: {  	_ =	shalt  }
0x5f: {  	_ =	shalt  }
0x60: {  	_ =	shalt  }
0x61: {  	_ =	shalt  }
0x62: {  	_ =	shalt  }
0x63: {  	_ =	shalt  }
0x64: {  	_ =	shalt  }
0x65: {  	_ =	shalt  }
0x66: {  	_ =	shalt  }
0x67: {  	_ =	shalt  }
0x68: {  	_ =	shalt  }
0x69: {  	_ =	shalt  }
0x6a: {  	_ =	shalt  }
0x6b: {  	_ =	shalt  }
0x6c: {  	_ =	shalt  }
0x6d: {  	_ =	shalt  }
0x6e: {  	_ =	shalt  }
0x6f: {  	_ =	shalt  }
0x70: {  	_ =	shalt  }
0x71: {  	_ =	shalt  }
0x72: {  	_ =	shalt  }
0x73: {  	_ =	shalt  }
0x74: {  	_ =	shalt  }
0x75: {  	_ =	shalt  }
0x76: {  	_ =	shalt  }
0x77: {  	_ =	shalt  }
0x78: {  	_ =	shalt  }
0x79: {  	_ =	shalt  }
0x7a: {  	_ =	shalt  }
0x7b: {  	_ =	shalt  }
0x7c: {  	_ =	shalt  }
0x7d: {  	_ =	shalt  }
0x7e: {  	_ =	shalt  }
0x7f: {  	_ =	shalt  }
0x80: {  	_ =	shalt  }
0x81: {  	_ =	shalt  }
0x82: {  	_ =	shalt  }
0x83: {  	_ =	shalt  }
0x84: {  	_ =	shalt  }
0x85: {  	_ =	shalt  }
0x86: {  	_ =	shalt  }
0x87: {  	_ =	shalt  }
.Lfunc_end0:
.L_simem_size_0:
called_computation.2_lowered:
.L_overlay_start_0:
0x88: {  	s2 =	sld [smem:$0x3FD9]  }
0x89: {  	s3 =	sld [smem:$0x3FFE];
	_ =	sdelay $0x1  }
0x8a: {  	s1 =	srdreg.scid  }
0x8b: {  	s0 =	sand.u32 $0x1, s1  }
0x8c: {  	s16 =	sshll.u32 s0, $0xA;
	s2 =	sadd.s32 s3, s2  }
0x8d: {  	s2 =	sadd.s32 s2, s16  }
0x8e: {  	[smem:$0x3FC2] =	sst s2  }
0x8f: {  	_ = 	snop  }
0x90: {  	(tm) =	ssettm $0x1  }
0x91: {  	s17 =	sld [smem:$0x3FFB];
	_ =	sdelay $0x3  }
0x92: {  	_ =	strace s17  }
0x93: {  	s2 =	sld [smem:$0x3FFC];
	_ =	sdelay $0x3  }
0x94: {  	_ =	strace s2  }
0x95: {  	s2 =	sld [smem:$0x3FFD];
	_ =	sdelay $0x3  }
0x96: {  	_ =	strace s2  }
0x97: {  	_ =	strace $0x8FFFFFFF  }
0x98: {  	s18 =	sld [smem:$0x3FDB];
	_ =	sdelay $0x1  }
0x99: {  	s19 =	simm.s32 $_scs_section_size  }
0x9a: {  	s4 =	simm.s32 $_size__tile_overlayer_lowered;
	s5 =	simm.s32 $_tile_overlayer_lowered  }
0x9b: {  	s22 =	simm.s32 $0x1BFF;
	s21 =	sshll.u32 s5, $0x1;
	s2 =	sadd.s32 s19, s18  }
0x9c: {  	s6 =	simm.s32 $0x0;
	s20 =	sshll.u32 s4, $0x1;
	s4 =	sadd.s32 s21, s2  }
0x9d: {  	[timem:s6], [sflag:s22] =	dma.local [hbm:s4], s20  }
0x9e: {  	_ =	swait.ge [sflag:s22], s20  }
0x9f: {  	s3 =	ssub.s32 $0x0, s20;
	[sflag:s22] =	ssyncset.done $0x0  }
0xa0: {  	[sflag:s22] =	ssyncadd.s32 s3;
	_ =	sdelay $0x1  }
0xa1: {  	s23 =	simm.s32 $0x1B8B  }
0xa2: {  	_ =	swait.ge [sflag:s23], $0x1  }
0xa3: {  	[sflag:s23] =	ssyncset.done $0x0  }
0xa4: {  	s25 =	simm.s32 $0x1B8E;
	s24 =	sld [smem:$0x3FFE];
	[sflag:s23] =	ssyncadd.s32 $0xFFFFFFFF  }
0xa5: {  	s26 =	simm.s32 $execute0_lowered;
	[smem:$0x3FD2] =	sst s25  }
0xa6: {  	s4 =	sshll.u32 s26, $0x1;
	_ =	strace $0x8000004C;
	[dreg:$0x1] =	wrdreg $0xFFFFFFFF  }
0xa7: {  	s28 =	simm.s32 $_size_execute0_lowered;
	s2 =	sadd.s32 s2, s4;
	[dreg:$0x0] =	wrdreg $0x0  }
0xa8: {  	s4 =	sshll.u32 s28, $0x1;
	[dreg:$0x2] =	wrdreg s2  }
0xa9: {  	[dreg:$0x3] =	wrdreg s4  }
0xaa: {  	[dreg:$0x4] =	wrdreg $0xC0  }
0xab: {  	_ =	task [dreg:s6], $0x5FFFF  }
0xac: {  	[dreg:$0x1] =	wrdreg $0xFFFFFFFF  }
0xad: {  	[dreg:$0x0] =	wrdreg $0x60  }
0xae: {  	[dreg:$0x2] =	wrdreg s24  }
0xaf: {  	[dreg:$0x3] =	wrdreg $0xA0000  }
0xb0: {  	[dreg:$0x4] =	wrdreg $0x9  }
0xb1: {  	_ =	task.clear_ibuf [dreg:s6], $0x5FFFF;
	_ =	strace $0x9000004C  }
0xb2: {  	s29 =	simm.s32 $0x9;
	_ =	strace $0x8000004E  }
0xb3: {  	_ =	swait.ge [sflag:s29], $0x1  }
0xb4: {  	[sflag:s29] =	ssyncadd.s32 $0xFFFFFFFF  }
0xb5: {  	_ =	strace $0x9000004E  }
0xb6: {  	_ =	sfence  }
0xb7: {  	s30 =	sld [smem:$0x0];
	_ =	sdelay $0x2  }
0xb8: {  	s31 =	sshll.u32 s1, $0xD;
	s1 =	sshrl.u32 s1, $0x2  }
0xb9: {  	s3 =	sand.u32 $0x4000, s31;
	s1 =	sadd.s32 s1, s30  }
0xba: {  	s0 =	sor.u32 s3, s0;
	s1 =	sshll.u32 s1, $0x11  }
0xbb: {  	s0 =	sor.u32 s1, s0  }
0xbc: {  	s0 =	sadd.s32 $0x8F2B, s0  }
0xbd: {  	[sflag:s0] =	ssyncadd.remote.s32 $0x1  }
0xbe: {  	_ =	sfence.sel $0xFFFF  }
0xbf: {  	[dreg:$0x0] =	wrdreg $0xFFFFFFFF;
	(pc) =	sbr.abs _section_cstart, $3  }
0xc0: {  	[dreg:$0x1] =	wrdreg $0xFFFFFFFF  }
0xc1: {  	_ =	task.clear_ibuf [dreg:s6], $0x2FFFF;
	_ =	strace $0x9FFFFFFF  }
0xc2: {  	(tm) =	ssettm $0x7FFFFFFF  }
0xc3: {  	_ =	shalt  }
tec
execute0_lowered:
.L_overlay_start_1:
0x0: {  	(tag) =	ssettag $0x1  }
0x1: {  	s0 =	srdreg.scid;
	s5 =	rddreg [dreg:$0x0]  }
0x2: {  	s10 =	stileid.u32;
	s2 =	rddreg [dreg:$0x1];
	s3 =	simm.s32 $0x0  }
0x3: {  	s12 =	simm.s32 $0x9;
	s13 =	simm.s32 $0x2800;
	s14 =	simm.s32 $0x80  }
0x4: {  	s15 =	simm.s32 $0x5000;
	s16 =	simm.s32 $0x6400;
	s17 =	simm.s32 $0x1  }
0x5: {  	s19 =	simm.s32 $0x7800;
	s20 =	simm.s32 $0x2;
	s23 =	simm.s32 $0x8C00  }
0x6: {  	s24 =	simm.s32 $0x3;
	s26 =	simm.s32 $0x5;
	s29 =	simm.s32 $0x4  }
0x7: {  	s31 =	simm.s32 $0x6;
	s18 =	simm.s32 $0x8;
	s21 =	simm.s32 $0x0  }
0x8: {  	s0 =	sand.u32 $0x1, s0;
	s1 =	sshll.u32 s10, $0x1;
	s6 =	smul.u32 $0x6400, s10  }
0x9: {  	[smem:$0x7FF] =	sst s3;
	s4 =	sadd.s32 $0x1F800, s5;
	s30 =	sshll.u32 s10, $0x6  }
0xa: {  	s1 =	sor.u32 s0, s1;
	s7 =	smul.u32 $0x64000, s0;
	_ =	strace $0x8000004D  }
0xb: {  	s0 =	ssub.s32 $0x2, s0;
	s1 =	smul.u32 $0x500, s1;
	s8 =	sshrl.u32 s6, $0x3  }
0xc: {  	s28 =	sshrl.u32 s0, $0x1;
	s11 =	sadd.s32 s6, s2;
	s7 =	sadd.s32 s6, s7  }
.Ltmp0:
0xd: {  	s8 =	sadd.s32 s8, s5;
	s0 =	ssub.s32 s0, s28;
	(pc) =	sbr.rel .LBB2_1-.Ltmp0, $4  }
0xe: {  	s6 =	sor.u32 $0x1C09, s30;
	s11 =	sshrl.u32 s11, $0x3;
	s1 =	sadd.s32 s1, s5  }
0xf: {  	s7 =	sshrl.u32 s7, $0x3;
	s10 =	smax.u32 s0, $0x1;
	s0 =	simm.s32 $0x7  }
0x10: {  	s9 =	sadd.s32 s7, s5;
	s5 =	sadd.s32 $0x2C000, s8;
	s7 =	sadd.s32 $0x15800, s1  }
0x11: {  	s8 =	sadd.s32 $0x1800, s1;
	s1 =	simm.s32 $0x280;
	s9 =	sadd.s32 $0x38800, s9  }
.LBB2_4:
0x12: {  	_ =	swait.ge [sflag:s29], $0x1400  }
0x13: {  	[sflag:s29] =	ssyncset.done $0x0  }
0x14: {  	[sflag:s29] =	ssyncadd.s32 $0xFFFFEC00  }
0x15: {  	[spmem:s2] =	stream.indirect.scatter.add.f32 [tilespmem:s23], [sflag:$0x8], $0x28, s28, s14, $0xb8;
	[tilespmem:$0x10400] =	vst v63  }
0x16: {  	_ =	swait.ge [sflag:s31], $0x1400  }
0x17: {  	[sflag:s31] =	ssyncset.done $0x0  }
0x18: {  	[sflag:s31] =	ssyncadd.s32 $0xFFFFEC00  }
0x19: {  	_ =	swait.ge [sflag:s0], $0x1400  }
0x1a: {  	[sflag:s0] =	ssyncset.done $0x0  }
0x1b: {  	[sflag:s0] =	ssyncadd.s32 $0xFFFFEC00  }
0x1c: {  	_ =	swait.ge [sflag:s18], $0x1400  }
0x1d: {  	s21 =	sadd.s32 $0x1, s21;
	[sflag:s18] =	ssyncset.done $0x0  }
0x1e: {  	p0 =	sne.s32 s21, s10;
	[sflag:s18] =	ssyncadd.s32 $0xFFFFEC00  }
.Ltmp1:
0x1f: {  	[bflag:$0x0] =	sbarrier.arrive $0xFFFF;
	(pc) =	sbr.rel @!p0 .LBB2_5-.Ltmp1, $4  }
0x20: {  	[hbm:s9], [sflag:s6] =	dma.local [spmem:s11], $0xC80  }
0x21: {  	_ =	swait.ge [sflag:s12], $0xC80  }
0x22: {  	[sflag:s12] =	ssyncset.done $0x0  }
0x23: {  	[sflag:s12] =	ssyncadd.s32 $0xFFFFF380  }
.LBB2_1:
0x24: {  	[spmem:s11], [sflag:s6] =	dma.local [hbm:s5], $0xC80  }
0x25: {  	_ =	swait.ge [sflag:s12], $0xC80  }
0x26: {  	[sflag:s12] =	ssyncset.done $0x0  }
0x27: {  	[sflag:s12] =	ssyncadd.s32 $0xFFFFF380  }
0x28: {  	[tilespmem:s3], [sflag:$0x9] =	stream.linear.gather [hbm4b:s7+s3], $0x2800, $0x38;
	[tilespmem:$0x10400] =	vst v63  }
0x29: {  	_ =	swait.ge [sflag:s12], $0x2800  }
0x2a: {  	[sflag:s12] =	ssyncset.done $0x0  }
0x2b: {  	[sflag:s12] =	ssyncadd.s32 $0xFFFFD800  }
0x2c: {  	[tilespmem:s13], [sflag:$0x9] =	stream.linear.gather [hbm4b:s8+s3], $0x2800, $0x38;
	[tilespmem:$0x10400] =	vst v63  }
0x2d: {  	_ =	swait.ge [sflag:s12], $0x2800  }
0x2e: {  	[sflag:s12] =	ssyncset.done $0x0  }
0x2f: {  	[sflag:s12] =	ssyncadd.s32 $0xFFFFD800  }
0x30: {  	[bflag:$0x0] =	sbarrier.arrive $0xFFFF  }
0x31: {  	[tilespmem:s15], [sflag:$0x1] =	stream.indirect.gather [hbm4b:s4+s14], $0x28, s3, s14, $0xb8;
	[tilespmem:$0x10400] =	vst v63  }
0x32: {  	_ = 	snop  }
0x33: {  	[tilespmem:s16], [sflag:$0x2] =	stream.indirect.gather [hbm4b:s4+s14], $0x28, s14, s14, $0xb8;
	[tilespmem:$0x10400] =	vst v63  }
0x34: {  	_ =	swait.ge [sflag:s17], $0x1400  }
0x35: {  	[sflag:s17] =	ssyncset.done $0x0  }
0x36: {  	[sflag:s17] =	ssyncadd.s32 $0xFFFFEC00  }
0x37: {  	[spmem:s2] =	stream.indirect.scatter.add.f32 [tilespmem:s15], [sflag:$0x5], $0x28, s13, s14, $0xb8;
	[tilespmem:$0x10400] =	vst v63  }
0x38: {  	s22 =	simm.s32 $0x100  }
0x39: {  	[tilespmem:s19], [sflag:$0x3] =	stream.indirect.gather [hbm4b:s4+s14], $0x28, s22, s14, $0xb8;
	[tilespmem:$0x10400] =	vst v63  }
0x3a: {  	_ =	swait.ge [sflag:s20], $0x1400  }
0x3b: {  	[sflag:s20] =	ssyncset.done $0x0  }
0x3c: {  	s28 =	simm.s32 $0x2880;
	[sflag:s20] =	ssyncadd.s32 $0xFFFFEC00  }
0x3d: {  	[spmem:s2] =	stream.indirect.scatter.add.f32 [tilespmem:s16], [sflag:$0x6], $0x28, s28, s14, $0xb8;
	[tilespmem:$0x10400] =	vst v63  }
0x3e: {  	s30 =	simm.s32 $0x180  }
0x3f: {  	[tilespmem:s23], [sflag:$0x4] =	stream.indirect.gather [hbm4b:s4+s14], $0x28, s30, s14, $0xb8;
	[tilespmem:$0x10400] =	vst v63  }
0x40: {  	_ =	swait.ge [sflag:s24], $0x1400  }
0x41: {  	[sflag:s24] =	ssyncset.done $0x0  }
0x42: {  	s25 =	simm.s32 $0x2900;
	[sflag:s24] =	ssyncadd.s32 $0xFFFFEC00  }
0x43: {  	[spmem:s2] =	stream.indirect.scatter.add.f32 [tilespmem:s19], [sflag:$0x7], $0x28, s25, s14, $0xb8;
	[tilespmem:$0x10400] =	vst v63  }
0x44: {  	_ =	swait.ge [sflag:s26], $0x1400  }
0x45: {  	[sflag:s26] =	ssyncset.done $0x0  }
0x46: {  	s28 =	simm.s32 $0x200;
	[sflag:s26] =	ssyncadd.s32 $0xFFFFEC00  }
0x47: {  	[tilespmem:s15], [sflag:$0x1] =	stream.indirect.gather [hbm4b:s4+s14], $0x28, s28, s14, $0xb8;
	[tilespmem:$0x10400] =	vst v63  }
0x48: {  	_ =	swait.ge [sflag:s29], $0x1400  }
0x49: {  	[sflag:s29] =	ssyncset.done $0x0  }
0x4a: {  	s30 =	simm.s32 $0x2980;
	[sflag:s29] =	ssyncadd.s32 $0xFFFFEC00  }
0x4b: {  	[spmem:s2] =	stream.indirect.scatter.add.f32 [tilespmem:s23], [sflag:$0x8], $0x28, s30, s14, $0xb8;
	[tilespmem:$0x10400] =	vst v63  }
0x4c: {  	_ =	swait.ge [sflag:s31], $0x1400  }
0x4d: {  	[sflag:s31] =	ssyncset.done $0x0  }
0x4e: {  	s22 =	simm.s32 $0x0;
	[sflag:s31] =	ssyncadd.s32 $0xFFFFEC00  }
0x4f: {  	[tilespmem:s16], [sflag:$0x2] =	stream.indirect.gather [hbm4b:s4+s14], $0x28, s1, s14, $0xb8;
	[tilespmem:$0x10400] =	vst v63  }
.LBB2_2:
0x50: {  	_ =	swait.ge [sflag:s17], $0x1400  }
0x51: {  	s25 =	sshra.s32 s22, $0x2;
	[sflag:s17] =	ssyncset.done $0x0  }
0x52: {  	s28 =	sadd.s32 $0x2A00, s25;
	[sflag:s17] =	ssyncadd.s32 $0xFFFFEC00  }
0x53: {  	[spmem:s2] =	stream.indirect.scatter.add.f32 [tilespmem:s15], [sflag:$0x5], $0x28, s28, s14, $0xb8;
	[tilespmem:$0x10400] =	vst v63  }
0x54: {  	_ =	swait.ge [sflag:s0], $0x1400  }
0x55: {  	[sflag:s0] =	ssyncset.done $0x0  }
0x56: {  	s28 =	sadd.s32 $0x300, s25;
	[sflag:s0] =	ssyncadd.s32 $0xFFFFEC00  }
0x57: {  	[tilespmem:s19], [sflag:$0x3] =	stream.indirect.gather [hbm4b:s4+s14], $0x28, s28, s14, $0xb8;
	[tilespmem:$0x10400] =	vst v63  }
0x58: {  	_ =	swait.ge [sflag:s20], $0x1400  }
0x59: {  	[sflag:s20] =	ssyncset.done $0x0  }
0x5a: {  	s28 =	sadd.s32 $0x2A80, s25;
	[sflag:s20] =	ssyncadd.s32 $0xFFFFEC00  }
0x5b: {  	[spmem:s2] =	stream.indirect.scatter.add.f32 [tilespmem:s16], [sflag:$0x6], $0x28, s28, s14, $0xb8;
	[tilespmem:$0x10400] =	vst v63  }
0x5c: {  	_ =	swait.ge [sflag:s18], $0x1400  }
0x5d: {  	[sflag:s18] =	ssyncset.done $0x0  }
0x5e: {  	s28 =	sadd.s32 $0x380, s25;
	[sflag:s18] =	ssyncadd.s32 $0xFFFFEC00  }
0x5f: {  	[tilespmem:s23], [sflag:$0x4] =	stream.indirect.gather [hbm4b:s4+s14], $0x28, s28, s14, $0xb8;
	[tilespmem:$0x10400] =	vst v63  }
0x60: {  	_ =	swait.ge [sflag:s24], $0x1400  }
0x61: {  	p0 =	seq.s32 s22, $0x9000;
	[sflag:s24] =	ssyncset.done $0x0  }
.Ltmp2:
0x62: {  	s28 =	sadd.s32 $0x2B00, s25;
	[sflag:s24] =	ssyncadd.s32 $0xFFFFEC00;
	(pc) =	sbr.rel @p0 .LBB2_4-.Ltmp2, $4  }
0x63: {  	[spmem:s2] =	stream.indirect.scatter.add.f32 [tilespmem:s19], [sflag:$0x7], $0x28, s28, s14, $0xb8;
	[tilespmem:$0x10400] =	vst v63  }
0x64: {  	_ =	swait.ge [sflag:s26], $0x1400  }
0x65: {  	[sflag:s26] =	ssyncset.done $0x0  }
0x66: {  	s28 =	sadd.s32 $0x2B80, s25;
	[sflag:s26] =	ssyncadd.s32 $0xFFFFEC00  }
0x67: {  	s30 =	sadd.s32 $0x400, s25  }
0x68: {  	[tilespmem:s15], [sflag:$0x1] =	stream.indirect.gather [hbm4b:s4+s14], $0x28, s30, s14, $0xb8;
	[tilespmem:$0x10400] =	vst v63  }
0x69: {  	_ =	swait.ge [sflag:s29], $0x1400  }
0x6a: {  	[sflag:s29] =	ssyncset.done $0x0  }
0x6b: {  	[sflag:s29] =	ssyncadd.s32 $0xFFFFEC00  }
0x6c: {  	[spmem:s2] =	stream.indirect.scatter.add.f32 [tilespmem:s23], [sflag:$0x8], $0x28, s28, s14, $0xb8;
	[tilespmem:$0x10400] =	vst v63  }
.Ltmp3:
0x6d: {  	_ = 	snop;
	(pc) =	sbr.rel .LBB2_2-.Ltmp3, $4  }
0x6e: {  	_ =	swait.ge [sflag:s31], $0x1400  }
0x6f: {  	[sflag:s31] =	ssyncset.done $0x0  }
0x70: {  	s22 =	sadd.s32 $0x800, s22;
	s30 =	sadd.s32 $0x480, s25;
	[sflag:s31] =	ssyncadd.s32 $0xFFFFEC00  }
0x71: {  	[tilespmem:s16], [sflag:$0x2] =	stream.indirect.gather [hbm4b:s4+s14], $0x28, s30, s14, $0xb8;
	[tilespmem:$0x10400] =	vst v63  }
.LBB2_5:
0x72: {  	_ =	sfence.sel $0x180000  }
0x73: {  	[bflag:$0x0] =	sbarrier.arrive $0xFFFF  }
0x74: {  	_ =	strace $0x9000004D  }
0x75: {  	s0 =	stileid.u32;
	[bflag:$0x2] =	sbarrier.arrive $0xFFFF  }
0x76: {  	p0 =	sne.s32 s0, $0x0;
	s0 =	rddreg [dreg:$0x2]  }
0x77: {  	s0 =	sadd.s32 @!p0 $0x100000, s0  }
0x78: {  	[sflag:s0] =	ssyncadd.tile.s32 @!p0 $0x1;
	_ =	shalt  }
.Lfunc_end2:
_tile_overlayer_lowered:
.L_overlay_start_2:
0x79: {  	(tag) =	ssettag $0x2  }
0x7a: {  	s0 =	rddreg [dreg:$0x0];
	s2 =	stileid.u32  }
0x7b: {  	s1 =	rddreg [dreg:$0x1];
	p0 =	sne.s32 s2, $0x0  }
0x7c: {  	s3 =	rddreg [dreg:$0x2];
	[bflag:$0x3] =	sbarrier.arrive $0xFFFF;
	s2 =	simm.s32 @!p0 $0x1C09  }
0x7d: {  	[timem:s3], [sflag:s2] =	dma.local @!p0 [hbm:s0], s1  }
0x7e: {  	s0 =	simm.s32 @!p0 $0x9  }
0x7f: {  	_ =	swait.ge @!p0 [sflag:s0], s1  }
0x80: {  	s1 =	ssub.s32 @!p0 $0x0, s1;
	[sflag:s0] =	ssyncset.done @!p0 $0x0  }
0x81: {  	[sflag:s0] =	ssyncadd.s32 @!p0 s1  }
0x82: {  	[bflag:$0x3] =	sbarrier.arrive $0xFFFF  }
0x83: {  	_ =	shalt  }

// kernel: kernel.9.cloned.1.call-start
scs
__scs_entry_jumppad:
0x0: {  	(pc) =	sbr.rel $0x88, $3  }
0x1: {  	(tag) =	ssettag $0x0;
	lr =	simm.s32 $0x1  }
0x2: {  	[smem:$0x3F9B] =	sst lr;
	_ =	strace $0xD0000000  }
0x3: {  	_ = 	snop  }
0x4: {  	_ = 	snop  }
0x5: {  	_ = 	snop  }
0x6: {  	_ = 	snop  }
0x7: {  	_ = 	snop  }
__scs_overlays_trampoline_lowered:
0x8: {  	[smem:$0x3FAA] =	sst s0  }
0x9: {  	[smem:$0x3FAB] =	sst s1  }
0xa: {  	[smem:$0x3FAC] =	sst s2  }
0xb: {  	[smem:$0x3FAD] =	sst s3  }
0xc: {  	[smem:$0x3FAE] =	sst s4  }
0xd: {  	[smem:$0x3FAF] =	sst s5  }
0xe: {  	[smem:$0x3FB0] =	sst s6  }
0xf: {  	[smem:$0x3FB1] =	sst s7  }
0x10: {  	[smem:$0x3FB2] =	sst s8  }
0x11: {  	[smem:$0x3FB3] =	sst s9;
	s0 =	simm.s32 @!p0 $0x0  }
0x12: {  	s1 =	sld [smem:$0x3F99];
	s0 =	simm.s32 @p0 $0x1  }
0x13: {  	[smem:$0x3FB4] =	sst s0;
	s0 =	simm.s32 @!p1 $0x0  }
0x14: {  	s2 =	sld [smem:$0x3F98];
	s0 =	simm.s32 @p1 $0x1  }
0x15: {  	[smem:$0x3FB5] =	sst s0;
	s0 =	simm.s32 @!p2 $0x0  }
0x16: {  	s3 =	sld [smem:$0x3FDB];
	s0 =	simm.s32 @p2 $0x1  }
0x17: {  	s4 =	simm.s32 $0x1BF5;
	[smem:$0x3FB7] =	sst s0  }
0x18: {  	s0 =	sld [smem:$0x3F9A];
	_ =	swait.ge [sflag:s4], $0x0  }
0x19: {  	s7 =	sld [smem:$0x3F9B]  }
0x1a: {  	s8 =	sadd.s32 $0xFFFFE003, lr  }
0x1b: {  	s9 =	sadd.s32 $0xFFFFFEF7, lr;
	s5 =	simm.s32 $0xFFFFFFFF;
	p2 =	slt.u32 s8, $0xFFFFF086  }
0x1c: {  	p1 =	slt.u32 s9, $0xF7A;
	s5 =	simm.s32 @!p2 $0x0  }
0x1d: {  	s5 =	simm.s32 @p1 $0x1;
	p0 =	seq.s32 s7, s2  }
0x1e: {  	s7 =	smul.u32 @!p0 $0xF7A, s2;
	p2 =	seq.s32 @!p0 s5, $0x0  }
0x1f: {  	s9 =	smul.u32 $0xF7A, s1;
	s8 =	simm.s32 @!p0 $0x1BF5;
	p2 =	por !p2, p0  }
0x20: {  	[sflag:s8] =	ssyncset.s32 @!p0 $0xFFFFF086;
	s6 =	sadd.s32 @!p0 s3, s7;
	s7 =	simm.s32 @!p0 $0x108  }
0x21: {  	s3 =	sadd.s32 s3, s9;
	s6 =	sadd.s32 @!p0 $0x88, s6;
	s7 =	simm.s32 @p2 $0x1082  }
0x22: {  	[simem:s7], [sflag:s8] =	dma.local @!p0 [hbm:s6], $0xF7A  }
0x23: {  	s9 =	sor.u32 $0xD0000000, s2;
	s6 =	simm.s32 $0x108;
	_ =	swait.ge @!p0 [sflag:s8], $0x0  }
0x24: {  	s3 =	sadd.s32 $0x88, s3;
	s6 =	simm.s32 @!p1 $0x1082;
	[sflag:s4] =	ssyncset.s32 $0xFFFFF086  }
0x25: {  	[simem:s6], [sflag:s4] =	dma.local [hbm:s3], $0xF7A  }
0x26: {  	[smem:$0x3F9B] =	sst s1;
	(tag) =	ssettag s2;
	_ =	strace s9  }
0x27: {  	s1 =	sld [smem:$0x3FAB]  }
0x28: {  	s2 =	sld [smem:$0x3FAC]  }
0x29: {  	s4 =	sld [smem:$0x3FAE]  }
0x2a: {  	p0 =	seq.s32 s5, $0x0;
	s5 =	sld [smem:$0x3FAF]  }
0x2b: {  	s6 =	sld [smem:$0x3FB0]  }
0x2c: {  	s7 =	sld [smem:$0x3FB1]  }
0x2d: {  	s3 =	simm.s32 $0x108;
	s8 =	sld [smem:$0x3FB2]  }
0x2e: {  	s3 =	simm.s32 @!p0 $0x1082;
	s9 =	sld [smem:$0x3FB3]  }
0x2f: {  	lr =	sadd.s32 s0, s3;
	s0 =	sld [smem:$0x3FAA]  }
0x30: {  	s3 =	sld [smem:$0x3FAD]  }
0x31: {  	[smem:$0x3FB6] =	sst s10  }
0x32: {  	s10 =	sld [smem:$0x3FB4];
	_ =	sdelay $0x3  }
0x33: {  	p0 =	seq.s32 s10, $0x1;
	s10 =	sld [smem:$0x3FB6];
	_ =	sdelay $0x3  }
0x34: {  	[smem:$0x3FB6] =	sst s10  }
0x35: {  	s10 =	sld [smem:$0x3FB5];
	_ =	sdelay $0x3  }
0x36: {  	p1 =	seq.s32 s10, $0x1;
	s10 =	sld [smem:$0x3FB6];
	_ =	sdelay $0x3  }
0x37: {  	[smem:$0x3FB6] =	sst s10  }
0x38: {  	s10 =	sld [smem:$0x3FB7]  }
0x39: {  	_ = 	snop;
	(pc) =	sbr.ind lr, $3  }
0x3a: {  	_ = 	snop  }
0x3b: {  	_ = 	snop  }
0x3c: {  	p2 =	seq.s32 s10, $0x1;
	s10 =	sld [smem:$0x3FB6]  }
0x3d: {  	_ =	shalt  }
0x3e: {  	_ =	shalt  }
0x3f: {  	_ =	shalt  }
0x40: {  	_ =	shalt  }
0x41: {  	_ =	shalt  }
0x42: {  	_ =	shalt  }
0x43: {  	_ =	shalt  }
0x44: {  	_ =	shalt  }
0x45: {  	_ =	shalt  }
0x46: {  	_ =	shalt  }
0x47: {  	_ =	shalt  }
0x48: {  	_ =	shalt  }
0x49: {  	_ =	shalt  }
0x4a: {  	_ =	shalt  }
0x4b: {  	_ =	shalt  }
0x4c: {  	_ =	shalt  }
0x4d: {  	_ =	shalt  }
0x4e: {  	_ =	shalt  }
0x4f: {  	_ =	shalt  }
0x50: {  	_ =	shalt  }
0x51: {  	_ =	shalt  }
0x52: {  	_ =	shalt  }
0x53: {  	_ =	shalt  }
0x54: {  	_ =	shalt  }
0x55: {  	_ =	shalt  }
0x56: {  	_ =	shalt  }
0x57: {  	_ =	shalt  }
0x58: {  	_ =	shalt  }
0x59: {  	_ =	shalt  }
0x5a: {  	_ =	shalt  }
0x5b: {  	_ =	shalt  }
0x5c: {  	_ =	shalt  }
0x5d: {  	_ =	shalt  }
0x5e: {  	_ =	shalt  }
0x5f: {  	_ =	shalt  }
0x60: {  	_ =	shalt  }
0x61: {  	_ =	shalt  }
0x62: {  	_ =	shalt  }
0x63: {  	_ =	shalt  }
0x64: {  	_ =	shalt  }
0x65: {  	_ =	shalt  }
0x66: {  	_ =	shalt  }
0x67: {  	_ =	shalt  }
0x68: {  	_ =	shalt  }
0x69: {  	_ =	shalt  }
0x6a: {  	_ =	shalt  }
0x6b: {  	_ =	shalt  }
0x6c: {  	_ =	shalt  }
0x6d: {  	_ =	shalt  }
0x6e: {  	_ =	shalt  }
0x6f: {  	_ =	shalt  }
0x70: {  	_ =	shalt  }
0x71: {  	_ =	shalt  }
0x72: {  	_ =	shalt  }
0x73: {  	_ =	shalt  }
0x74: {  	_ =	shalt  }
0x75: {  	_ =	shalt  }
0x76: {  	_ =	shalt  }
0x77: {  	_ =	shalt  }
0x78: {  	_ =	shalt  }
0x79: {  	_ =	shalt  }
0x7a: {  	_ =	shalt  }
0x7b: {  	_ =	shalt  }
0x7c: {  	_ =	shalt  }
0x7d: {  	_ =	shalt  }
0x7e: {  	_ =	shalt  }
0x7f: {  	_ =	shalt  }
0x80: {  	_ =	shalt  }
0x81: {  	_ =	shalt  }
0x82: {  	_ =	shalt  }
0x83: {  	_ =	shalt  }
0x84: {  	_ =	shalt  }
0x85: {  	_ =	shalt  }
0x86: {  	_ =	shalt  }
0x87: {  	_ =	shalt  }
.Lfunc_end0:
.L_simem_size_0:
called_computation_lowered:
.L_overlay_start_0:
0x88: {  	s2 =	sld [smem:$0x3FD9]  }
0x89: {  	s3 =	sld [smem:$0x3FFE];
	_ =	sdelay $0x1  }
0x8a: {  	s1 =	srdreg.scid  }
0x8b: {  	s0 =	sand.u32 $0x1, s1  }
0x8c: {  	s17 =	sshll.u32 s0, $0xA;
	s2 =	sadd.s32 s3, s2  }
0x8d: {  	s2 =	sadd.s32 s2, s17  }
0x8e: {  	[smem:$0x3FC2] =	sst s2  }
0x8f: {  	_ = 	snop  }
0x90: {  	s2 =	sld [smem:$0x3FD0];
	(tm) =	ssettm $0x1  }
0x91: {  	s18 =	sld [smem:$0x3FFB];
	_ =	sdelay $0x3  }
0x92: {  	_ =	strace s18  }
0x93: {  	s3 =	sld [smem:$0x3FFC];
	_ =	sdelay $0x3  }
0x94: {  	_ =	strace s3  }
0x95: {  	s3 =	sld [smem:$0x3FFD];
	_ =	sdelay $0x3  }
0x96: {  	_ =	strace s3  }
0x97: {  	_ =	strace $0x8FFFFFFF  }
0x98: {  	s19 =	sld [smem:$0x3FDB];
	_ =	sdelay $0x1  }
0x99: {  	s4 =	simm.s32 $_scs_section_size  }
0x9a: {  	s5 =	simm.s32 $_size__tile_overlayer_lowered;
	s6 =	simm.s32 $_tile_overlayer_lowered  }
0x9b: {  	s22 =	simm.s32 $0x1BFF;
	s21 =	sshll.u32 s6, $0x1;
	s3 =	sadd.s32 s4, s19  }
0x9c: {  	s7 =	simm.s32 $0x0;
	s20 =	sshll.u32 s5, $0x1;
	s5 =	sadd.s32 s21, s3  }
0x9d: {  	[timem:s7], [sflag:s22] =	dma.local [hbm:s5], s20  }
0x9e: {  	_ =	swait.ge [sflag:s22], s20  }
0x9f: {  	s4 =	ssub.s32 $0x0, s20;
	[sflag:s22] =	ssyncset.done $0x0  }
0xa0: {  	[sflag:s22] =	ssyncadd.s32 s4;
	_ =	sdelay $0x1  }
0xa1: {  	s23 =	simm.s32 $0x1B8B  }
0xa2: {  	_ =	swait.ge [sflag:s23], $0x1  }
0xa3: {  	[sflag:s23] =	ssyncset.done $0x0  }
0xa4: {  	s25 =	simm.s32 $0x1B8E;
	s24 =	sld [smem:$0x3FFE];
	[sflag:s23] =	ssyncadd.s32 $0xFFFFFFFF  }
0xa5: {  	s26 =	simm.s32 $execute0_lowered;
	[smem:$0x3FD2] =	sst s25  }
0xa6: {  	s5 =	sshll.u32 s26, $0x1;
	_ =	strace $0x80000046;
	[dreg:$0x1] =	wrdreg $0xFFFFFFFF  }
0xa7: {  	s28 =	simm.s32 $_size_execute0_lowered;
	s3 =	sadd.s32 s3, s5;
	[dreg:$0x0] =	wrdreg $0x0  }
0xa8: {  	s5 =	sshll.u32 s28, $0x1;
	[dreg:$0x2] =	wrdreg s3  }
0xa9: {  	[dreg:$0x3] =	wrdreg s5  }
0xaa: {  	[dreg:$0x4] =	wrdreg $0xC0  }
0xab: {  	_ =	task [dreg:s7], $0x5FFFF  }
0xac: {  	[dreg:$0x1] =	wrdreg $0xFFFFFFFF  }
0xad: {  	[dreg:$0x0] =	wrdreg $0x60  }
0xae: {  	[dreg:$0x2] =	wrdreg s2  }
0xaf: {  	[dreg:$0x3] =	wrdreg s24  }
0xb0: {  	[dreg:$0x4] =	wrdreg $0x9  }
0xb1: {  	_ =	task.clear_ibuf [dreg:s7], $0x5FFFF;
	_ =	strace $0x90000046  }
0xb2: {  	s29 =	simm.s32 $0x9;
	_ =	strace $0x80000048  }
0xb3: {  	_ =	swait.ge [sflag:s29], $0x1  }
0xb4: {  	[sflag:s29] =	ssyncadd.s32 $0xFFFFFFFF  }
0xb5: {  	_ =	strace $0x90000048  }
0xb6: {  	_ =	sfence  }
0xb7: {  	s30 =	sld [smem:$0x0];
	_ =	sdelay $0x2  }
0xb8: {  	s31 =	sshll.u32 s1, $0xD;
	s1 =	sshrl.u32 s1, $0x2  }
0xb9: {  	s3 =	sand.u32 $0x4000, s31;
	s1 =	sadd.s32 s1, s30  }
0xba: {  	s0 =	sor.u32 s3, s0;
	s1 =	sshll.u32 s1, $0x11  }
0xbb: {  	s0 =	sor.u32 s1, s0  }
0xbc: {  	s0 =	sadd.s32 $0x8F2B, s0  }
0xbd: {  	[sflag:s0] =	ssyncadd.remote.s32 $0x1  }
0xbe: {  	_ =	sfence.sel $0xFFFF  }
0xbf: {  	[dreg:$0x0] =	wrdreg $0xFFFFFFFF;
	(pc) =	sbr.abs _section_cstart, $3  }
0xc0: {  	[dreg:$0x1] =	wrdreg $0xFFFFFFFF  }
0xc1: {  	_ =	task.clear_ibuf [dreg:s7], $0x2FFFF;
	_ =	strace $0x9FFFFFFF  }
0xc2: {  	(tm) =	ssettm $0x7FFFFFFF  }
0xc3: {  	_ =	shalt  }
tec
execute0_lowered:
.L_overlay_start_1:
0x0: {  	(tag) =	ssettag $0x1  }
0x1: {  	s3 =	rddreg [dreg:$0x0];
	s1 =	srdreg.scid  }
0x2: {  	s0 =	stileid.u32;
	s6 =	rddreg [dreg:$0x1];
	s8 =	simm.s32 $0x1  }
0x3: {  	s9 =	simm.s32 $0x2800;
	s10 =	simm.s32 $0x0;
	s4 =	sand.u32 $0x1, s1  }
0x4: {  	s29 =	sshrl.u32 s0, $0x2;
	s2 =	sshll.u32 s0, $0x8;
	s1 =	rddreg [dreg:$0x2]  }
0x5: {  	s5 =	smul.u32 $0x14000, s29;
	s30 =	sshll.u32 s4, $0x7;
	s2 =	sand.u32 $0x300, s2  }
0x6: {  	s4 =	ssub.s32 $0x2, s4;
	s7 =	sor.u32 s30, s2;
	s2 =	simm.s32 $0x0  }
0x7: {  	s31 =	sshrl.u32 s4, $0x1;
	s5 =	sor.u32 s5, s7;
	[smem:$0x7FF] =	sst s2  }
0x8: {  	s7 =	ssub.s32 s4, s31;
	s5 =	sshrl.u32 s5, $0x3;
	_ =	strace $0x80000047  }
0x9: {  	s6 =	sadd.s32 s5, s6;
	s3 =	sadd.s32 s3, s5;
	s5 =	smax.u32 s7, $0x1  }
0xa: {  	v0 =	vimm.f32 $0.0e+00;
	v1 =	vimm.f32 $1.000000000e+00;
	s7 =	simm.s32 $0x400;
	s4 =	sadd.s32 $0xB800, s6;
	s6 =	simm.s32 $0x80  }
.LBB2_1:
0xb: {  	[tilespmem:s2], [sflag:$0x1] =	stream.strided.gather [hbm4b:s3+s6], $0x2800, s7, s6, $0x38;
	[tilespmem:$0x5000] =	vst v63  }
0xc: {  	_ =	swait.ge [sflag:s8], $0x2800  }
0xd: {  	[sflag:s8] =	ssyncset.done $0x0  }
0xe: {  	s11 =	simm.s32 $0x0;
	[sflag:s8] =	ssyncadd.s32 $0xFFFFD800  }
.LBB2_2:
0xf: {  	p0 =	sne.s32 s11, $0x9FC0  }
.Ltmp0:
0x10: {  	_ = 	snop;
	(pc) =	sbr.rel @p0 .LBB2_2-.Ltmp0, $3  }
0x11: {  	_ =	sdelay $0x1  }
0x12: {  	s12 =	sshra.s32 s11, $0x2  }
0x13: {  	s11 =	sadd.s32 $0x40, s11;
	[tilespmem:s12+$0x2800] =	vst v0  }
0x14: {  	s12 =	simm.s32 $0x0;
	s11 =	simm.s32 $0x40  }
.LBB2_4:
0x15: {  	p0 =	sne.s32 s11, $0x9FC0;
	v2 =	vld [tilespmem:s12+$0x0];
	_ =	sdelay $0x3  }
.Ltmp1:
0x16: {  	(pc) =	sbr.rel @p0 .LBB2_4-.Ltmp1, $2  }
0x17: {  	_ =	sdelay $0x2  }
0x18: {  	s12 =	sshra.s32 s11, $0x2;
	s11 =	sadd.s32 $0x40, s11;
	[tilespmem:v2+s9+$0x0] =	vst.idx.add.f32.msk $0xffff, v1  }
0x19: {  	v2 =	vld [tilespmem:s12+$0x0];
	_ =	sdelay $0x5  }
0x1a: {  	s10 =	sadd.s32 $0x1, s10  }
0x1b: {  	p0 =	sne.s32 s10, s5  }
.Ltmp2:
0x1c: {  	[tilespmem:v2+s9+$0x0] =	vst.idx.add.f32.msk $0xffff, v1;
	(pc) =	sbr.rel @p0 .LBB2_1-.Ltmp2, $4  }
0x1d: {  	[hbm4b:s4+s6] =	stream.strided.scatter [tilespmem:s9], [sflag:$0x1], $0x2800, s7, s6, $0x38;
	[tilespmem:$0x5000] =	vst v63  }
0x1e: {  	_ =	swait.ge [sflag:s8], $0x2800  }
0x1f: {  	[sflag:s8] =	ssyncset.done $0x0  }
0x20: {  	[sflag:s8] =	ssyncadd.s32 $0xFFFFD800  }
0x21: {  	_ =	sfence.sel $0x180000  }
0x22: {  	[bflag:$0x0] =	sbarrier.arrive $0xFFFF  }
0x23: {  	p0 =	sne.s32 s0, $0x0;
	_ =	strace $0x90000047  }
0x24: {  	s0 =	sadd.s32 @!p0 $0x100000, s1;
	[bflag:$0x2] =	sbarrier.arrive $0xFFFF  }
0x25: {  	[sflag:s0] =	ssyncadd.tile.s32 @!p0 $0x1;
	_ =	shalt  }
.Lfunc_end2:
_tile_overlayer_lowered:
.L_overlay_start_2:
0x26: {  	(tag) =	ssettag $0x2  }
0x27: {  	s0 =	rddreg [dreg:$0x0];
	s2 =	stileid.u32  }
0x28: {  	s1 =	rddreg [dreg:$0x1];
	p0 =	sne.s32 s2, $0x0  }
0x29: {  	s3 =	rddreg [dreg:$0x2];
	[bflag:$0x3] =	sbarrier.arrive $0xFFFF;
	s2 =	simm.s32 @!p0 $0x1C01  }
0x2a: {  	[timem:s3], [sflag:s2] =	dma.local @!p0 [hbm:s0], s1  }
0x2b: {  	s0 =	simm.s32 @!p0 $0x1  }
0x2c: {  	_ =	swait.ge @!p0 [sflag:s0], s1  }
0x2d: {  	s1 =	ssub.s32 @!p0 $0x0, s1;
	[sflag:s0] =	ssyncset.done @!p0 $0x0  }
0x2e: {  	[sflag:s0] =	ssyncadd.s32 @!p0 s1  }
0x2f: {  	[bflag:$0x3] =	sbarrier.arrive $0xFFFF  }
0x30: {  	_ =	shalt  }

</sc_bundles>
